<compile_context>
chip_gen: v7x
topology: tpu7x:2x2x1
jax: 0.10.2.dev20260603
libtpu: 0.0.44.dev20260713+nightly
codegen_flags: <defaults>
</compile_context>

<pallas_src>
import functools

import jax
import jax.numpy as jnp
import numpy as np
from jax.experimental import pallas as pl
from jax.experimental.pallas import tpu as pltpu

B, C, T = 32, 16, 4096
DIM, DIM2, E, NTASKS, KTOP = 128, 256, 8, 5, 2
NP = 18
NTOK = 6
KC = 13
CHUNKS = 8
CK = (DIM2 * DIM) // CHUNKS
SQRT2 = np.float32(np.sqrt(2.0))


def _gelu(v):
    return v * 0.5 * (1.0 + jax.lax.erf(v / SQRT2))


def _ln_rows(v, s, b, eps=1e-5):
    m = jnp.mean(v, axis=-1, keepdims=True)
    var = jnp.mean((v - m) ** 2, axis=-1, keepdims=True)
    return (v - m) * jax.lax.rsqrt(var + eps) * s + b


def _body(xc_ref, wc_ref, tok_b_ref, cls_ref, tls_ref, tlb_ref,
          arep_ref, b1rep_ref, w2f_ref,
          ds_b2_ref, dls_ref, dlb_ref,
          temb_ref, tid_ref, gwg_ref, gwt_ref, gb_ref,
          ewt_ref, eb_ref, uwt_ref, ub_ref, ols_ref, olb_ref,
          out_ref, htil_ref, acc_ref):
    i = pl.program_id(0)

    @pl.when(i == 0)
    def _front():
        conv = jnp.dot(xc_ref[:], wc_ref[:],
                       preferred_element_type=jnp.float32) + tok_b_ref[:]
        conv = _gelu(conv)
        tls, tlb = tls_ref[:], tlb_ref[:]
        cls_ln = _ln_rows(cls_ref[:], tls, tlb)
        cls_b = jnp.broadcast_to(cls_ln, (B, DIM))
        htil_ref[0] = jnp.concatenate([cls_b] * 32, axis=-1)
        for m in range(NTOK):
            t = jnp.maximum(jnp.maximum(conv[96 * m:96 * m + 32],
                                        conv[96 * m + 32:96 * m + 64]),
                            conv[96 * m + 64:96 * m + 96])
            t = _ln_rows(t, tls, tlb)
            htil_ref[1 + m] = jnp.concatenate([t] * 32, axis=-1)
        acc_ref[:] = jnp.zeros((B, DIM2), jnp.float32)

    arep = arep_ref[:]
    out1c = b1rep_ref[:] + htil_ref[0] * arep[0:1, :]
    for n in range(1, 7):
        out1c = out1c + htil_ref[n] * arep[n:n + 1, :]
    acc_ref[:] += jax.lax.dot_general(
        out1c, w2f_ref[:], (((1,), (1,)), ((), ())),
        preferred_element_type=jnp.float32)

    @pl.when(i == CHUNKS - 1)
    def _tail():
        out2 = acc_ref[:] + ds_b2_ref[:]
        g0 = _gelu(_ln_rows(out2, dls_ref[:], dlb_ref[:]))
        ids = tid_ref[:]
        onehot = (jax.lax.broadcasted_iota(jnp.int32, (B, NTASKS), 1)
                  == ids).astype(jnp.float32)
        t_vec = jnp.dot(onehot, temb_ref[:],
                        preferred_element_type=jnp.float32)
        dims_t = (((1,), (1,)), ((), ()))
        logits = (jax.lax.dot_general(g0, gwg_ref[:], dims_t,
                                      preferred_element_type=jnp.float32)
                  + jax.lax.dot_general(t_vec, gwt_ref[:], dims_t,
                                        preferred_element_type=jnp.float32)
                  + gb_ref[:])
        idx = jax.lax.broadcasted_iota(jnp.int32, (B, E), 1)
        m1 = jnp.max(logits, axis=-1, keepdims=True)
        i1 = jnp.min(jnp.where(logits == m1, idx, E), axis=-1, keepdims=True)
        l2 = jnp.where(idx == i1, -jnp.inf, logits)
        m2 = jnp.max(l2, axis=-1, keepdims=True)
        i2 = jnp.min(jnp.where(l2 == m2, idx, E), axis=-1, keepdims=True)
        sel = (idx == i1) | (idx == i2)
        ex = jnp.where(sel, jnp.exp(logits - m1), 0.0)
        gates = ex / jnp.sum(ex, axis=-1, keepdims=True)
        t_task = jnp.zeros((B, DIM2), jnp.float32)
        for e in range(E):
            eo = _gelu(jax.lax.dot_general(
                g0, ewt_ref[e], dims_t, preferred_element_type=jnp.float32)
                + eb_ref[e:e + 1, :])
            t_task = t_task + gates[:, e:e + 1] * eo
        t_univ = _gelu(jax.lax.dot_general(
            g0, uwt_ref[:], dims_t, preferred_element_type=jnp.float32)
            + ub_ref[:])
        omega = 1.0 - jnp.max(gates, axis=-1, keepdims=True)
        out = t_task + omega * t_univ
        out_ref[:] = _ln_rows(out, ols_ref[:], olb_ref[:])


@jax.jit
def kernel(x, tok_conv_w, tok_conv_b, cls_token, tok_ln_s, tok_ln_b,
           ds_w1, ds_b1, ds_w2, ds_b2, ds_ln_s, ds_ln_b,
           task_embed, gate_w, gate_b, expert_w, expert_b,
           univ_w, univ_b, out_ln_s, out_ln_b, task_ids):
    xp = jnp.pad(x[:, :, :2 * (NP - 1) + KC - 6], ((0, 0), (0, 0), (6, 0)))
    cols = jnp.stack([xp[:, :, 2 * p:2 * p + KC] for p in range(NP)], axis=0)
    xc = cols.reshape(NP * B, C * KC)
    xc = jnp.pad(xc, ((0, 0), (0, 48)))
    wc = jnp.pad(tok_conv_w.reshape(DIM, C * KC).T, ((0, 48), (0, 0)))
    a7t = ds_w1[:, 0, 0, 6:6 + 7].T
    arep = jnp.repeat(a7t[:, :, None], DIM, axis=2).reshape(7, DIM2 * DIM)
    b1rep = jnp.repeat(ds_b1[:, None], DIM, axis=1).reshape(1, DIM2 * DIM)
    w2f = ds_w2[:, :, :, 0].reshape(DIM2, DIM2 * DIM)
    row = lambda v: v.reshape(1, -1)

    grid = (CHUNKS,)
    full = lambda shape: pl.BlockSpec(shape, lambda i: (0,) * len(shape))
    out = pl.pallas_call(
        _body,
        grid=grid,
        in_specs=[
            full((NP * B, 256)),
            full((256, DIM)),
            full((1, DIM)),
            full((1, DIM)),
            full((1, DIM)),
            full((1, DIM)),
            pl.BlockSpec((7, CK), lambda i: (0, i)),
            pl.BlockSpec((1, CK), lambda i: (0, i)),
            pl.BlockSpec((DIM2, CK), lambda i: (0, i)),
            full((1, DIM2)),
            full((1, DIM2)),
            full((1, DIM2)),
            full((NTASKS, DIM2)),
            full((B, 1)),
            full((E, DIM2)),
            full((E, DIM2)),
            full((1, E)),
            full((E, DIM2, DIM2)),
            full((E, DIM2)),
            full((DIM2, DIM2)),
            full((1, DIM2)),
            full((1, DIM2)),
            full((1, DIM2)),
        ],
        out_specs=pl.BlockSpec((B, DIM2), lambda i: (0, 0)),
        out_shape=jax.ShapeDtypeStruct((B, DIM2), jnp.float32),
        scratch_shapes=[
            pltpu.VMEM((7, B, CK), jnp.float32),
            pltpu.VMEM((B, DIM2), jnp.float32),
        ],
        compiler_params=pltpu.CompilerParams(
            dimension_semantics=("arbitrary",)),
    )(xc, wc, row(tok_conv_b), cls_token[0], row(tok_ln_s), row(tok_ln_b),
      arep, b1rep, w2f,
      row(ds_b2), row(ds_ln_s), row(ds_ln_b),
      task_embed, task_ids.reshape(B, 1),
      gate_w[:, :DIM2], gate_w[:, DIM2:], row(gate_b),
      expert_w, expert_b, univ_w, row(univ_b), row(out_ln_s), row(out_ln_b))
    return out

# --- scband reference (transcript-rebuilt; emitter-appended) ---
"""Pipeline reference for scband-multi-stream-model-24318104830199 (READ-ONLY COPY).

The authoritative reference and input builder live on the scoring server;
editing this copy changes nothing except your own understanding.
"""

import jax, jax.numpy as jnp
import numpy as np

B, C, T = 32, 16, 4096
DIM, DIM2, E, NTASKS, KTOP = 128, 256, 8, 5, 2


def _ln(x, s, b, eps=1e-5):
    m = jnp.mean(x, axis=-1, keepdims=True)
    v = jnp.mean((x - m) ** 2, axis=-1, keepdims=True)
    return (x - m) / jnp.sqrt(v + eps) * s + b


def _forward(x, tok_conv_w, tok_conv_b, cls_token, tok_ln_s, tok_ln_b,
             ds_w1, ds_b1, ds_w2, ds_b2, ds_ln_s, ds_ln_b,
             task_embed, gate_w, gate_b, expert_w, expert_b,
             univ_w, univ_b, out_ln_s, out_ln_b, task_ids):
    # Tokenize1D: conv1d(stride=2, pad=6) -> GELU -> maxpool(3,3) -> cls token -> LN
    h = jax.lax.conv_general_dilated(x, tok_conv_w, (2,), [(6, 6)],
                                     dimension_numbers=('NCH', 'OIH', 'NCH'))
    h = h + tok_conv_b[None, :, None]
    h = jax.nn.gelu(h, approximate=False)
    h = jax.lax.reduce_window(h, -jnp.inf, jax.lax.max, (1, 1, 3), (1, 1, 3), 'VALID')
    h = jnp.transpose(h, (0, 2, 1))
    b, n, d = h.shape
    h = jnp.concatenate([jnp.broadcast_to(cls_token, (b, 1, d)), h], axis=1)
    h = _ln(h, tok_ln_s, tok_ln_b)
    # DSConvBlock: conv2d(1->dim_2, (1,13)) -> compress conv2d((dim,1)) -> LN -> GELU
    g = jnp.transpose(h, (0, 2, 1))[:, None, :, :]
    g = jax.lax.conv_general_dilated(g, ds_w1, (1, 1), [(0, 0), (6, 6)],
                                     dimension_numbers=('NCHW', 'OIHW', 'NCHW'))
    g = g + ds_b1[None, :, None, None]
    g = jax.lax.conv_general_dilated(g, ds_w2, (1, 1), [(0, 0), (0, 0)],
                                     dimension_numbers=('NCHW', 'OIHW', 'NCHW'))
    g = g + ds_b2[None, :, None, None]
    g = jnp.transpose(g[:, :, 0, :], (0, 2, 1))
    g = jax.nn.gelu(_ln(g, ds_ln_s, ds_ln_b), approximate=False)
    # TaskAwareMoE (eval mode: no noisy gating, no dropout)
    t_vec = task_embed[task_ids]
    bb, nn_, d2 = g.shape
    t_b = jnp.broadcast_to(t_vec[:, None, :], (bb, nn_, d2))
    T_cat = jnp.concatenate([g, t_b], axis=-1)
    logits = T_cat @ gate_w.T + gate_b
    topk_vals, topk_idx = jax.lax.top_k(logits, KTOP)
    sel = jax.nn.one_hot(topk_idx, logits.shape[-1], dtype=jnp.float32).sum(axis=-2) > 0
    masked = jnp.where(sel, logits, -jnp.inf)
    gates = jax.nn.softmax(masked, axis=-1)
    expert_outs = jax.nn.gelu(jnp.einsum('bnd,ekd->bnek', g, expert_w)
                              + expert_b[None, None, :, :], approximate=False)
    T_task = jnp.sum(gates[..., None] * expert_outs, axis=-2)
    T_univ = jax.nn.gelu(g @ univ_w.T + univ_b, approximate=False)
    omega = 1.0 - jnp.max(gates, axis=-1, keepdims=True)
    out = T_task + omega * T_univ
    out = _ln(out, out_ln_s, out_ln_b)
    return out[:, 0, :]


def setup_inputs(seed: int = 0):
    key = jax.random.key(seed)
    ks = jax.random.split(key, 12)
    inp = {
        'x': jax.random.normal(ks[0], (B, C, T), dtype=jnp.float32),
        'tok_conv_w': jax.random.normal(ks[1], (DIM, C, 13), dtype=jnp.float32) * 0.05,
        'tok_conv_b': jnp.zeros((DIM,), jnp.float32),
        'cls_token': jax.random.normal(ks[2], (1, 1, DIM), dtype=jnp.float32) * 0.02,
        'tok_ln_s': jnp.ones((DIM,), jnp.float32),
        'tok_ln_b': jnp.zeros((DIM,), jnp.float32),
        'ds_w1': jax.random.normal(ks[3], (DIM2, 1, 1, 13), dtype=jnp.float32) * 0.05,
        'ds_b1': jnp.zeros((DIM2,), jnp.float32),
        'ds_w2': jax.random.normal(ks[4], (DIM2, DIM2, DIM, 1), dtype=jnp.float32) * 0.01,
        'ds_b2': jnp.zeros((DIM2,), jnp.float32),
        'ds_ln_s': jnp.ones((DIM2,), jnp.float32),
        'ds_ln_b': jnp.zeros((DIM2,), jnp.float32),
        'task_embed': jax.random.normal(ks[5], (NTASKS, DIM2), dtype=jnp.float32) * 0.05,
        'gate_w': jax.random.normal(ks[6], (E, 2 * DIM2), dtype=jnp.float32) * 0.05,
        'gate_b': jnp.zeros((E,), jnp.float32),
        'expert_w': jax.random.normal(ks[7], (E, DIM2, DIM2), dtype=jnp.float32) * 0.05,
        'expert_b': jnp.zeros((E, DIM2), jnp.float32),
        'univ_w': jax.random.normal(ks[8], (DIM2, DIM2), dtype=jnp.float32) * 0.05,
        'univ_b': jnp.zeros((DIM2,), jnp.float32),
        'out_ln_s': jnp.ones((DIM2,), jnp.float32),
        'out_ln_b': jnp.zeros((DIM2,), jnp.float32),
        'task_ids': jax.random.randint(ks[9], (B,), 0, NTASKS, dtype=jnp.int32),
    }
    return inp


def reference(x, tok_conv_w, tok_conv_b, cls_token, tok_ln_s, tok_ln_b,
              ds_w1, ds_b1, ds_w2, ds_b2, ds_ln_s, ds_ln_b,
              task_embed, gate_w, gate_b, expert_w, expert_b,
              univ_w, univ_b, out_ln_s, out_ln_b, task_ids):
    return _forward(x, tok_conv_w, tok_conv_b, cls_token, tok_ln_s, tok_ln_b,
                    ds_w1, ds_b1, ds_w2, ds_b2, ds_ln_s, ds_ln_b,
                    task_embed, gate_w, gate_b, expert_w, expert_b,
                    univ_w, univ_b, out_ln_s, out_ln_b, task_ids)

if __name__ == "__main__":
    import jax
    _d = setup_inputs()
    print(jax.jit(kernel)(*tuple(_d.values())))

</pallas_src>

<mosaic_0001>
module attributes {stable_mosaic.version = 14 : i64} {
  func.func @_body(%arg0: i32, %arg1: memref<576x256xf32, #tpu.memory_space<vmem>>, %arg2: memref<256x128xf32, #tpu.memory_space<vmem>>, %arg3: memref<1x128xf32, #tpu.memory_space<vmem>>, %arg4: memref<1x128xf32, #tpu.memory_space<vmem>>, %arg5: memref<1x128xf32, #tpu.memory_space<vmem>>, %arg6: memref<1x128xf32, #tpu.memory_space<vmem>>, %arg7: memref<7x4096xf32, #tpu.memory_space<vmem>>, %arg8: memref<1x4096xf32, #tpu.memory_space<vmem>>, %arg9: memref<256x4096xf32, #tpu.memory_space<vmem>>, %arg10: memref<1x256xf32, #tpu.memory_space<vmem>>, %arg11: memref<1x256xf32, #tpu.memory_space<vmem>>, %arg12: memref<1x256xf32, #tpu.memory_space<vmem>>, %arg13: memref<5x256xf32, #tpu.memory_space<vmem>>, %arg14: memref<32x1xi32, #tpu.memory_space<vmem>>, %arg15: memref<8x256xf32, #tpu.memory_space<vmem>>, %arg16: memref<8x256xf32, #tpu.memory_space<vmem>>, %arg17: memref<1x8xf32, #tpu.memory_space<vmem>>, %arg18: memref<8x256x256xf32, #tpu.memory_space<vmem>>, %arg19: memref<8x256xf32, #tpu.memory_space<vmem>>, %arg20: memref<256x256xf32, #tpu.memory_space<vmem>>, %arg21: memref<1x256xf32, #tpu.memory_space<vmem>>, %arg22: memref<1x256xf32, #tpu.memory_space<vmem>>, %arg23: memref<1x256xf32, #tpu.memory_space<vmem>>, %arg24: memref<32x256xf32, #tpu.memory_space<vmem>>, %arg25: memref<7x32x4096xf32, #tpu.memory_space<vmem>>, %arg26: memref<32x256xf32, #tpu.memory_space<vmem>>) attributes {dimension_semantics = [#tpu.dimension_semantics<arbitrary>], iteration_bounds = array<i64: 8>, scalar_prefetch = 0 : i64, scratch_operands = 2 : i64, tpu.core_type = #tpu.core_type<tc>, window_params = [{pipeline_mode = #tpu.pipeline_mode<synchronous>, transform_indices = @transform_0, window_bounds = array<i64: 576, 256>}, {pipeline_mode = #tpu.pipeline_mode<synchronous>, transform_indices = @transform_1, window_bounds = array<i64: 256, 128>}, {pipeline_mode = #tpu.pipeline_mode<synchronous>, transform_indices = @transform_2, window_bounds = array<i64: 1, 128>}, {pipeline_mode = #tpu.pipeline_mode<synchronous>, transform_indices = @transform_3, window_bounds = array<i64: 1, 128>}, {pipeline_mode = #tpu.pipeline_mode<synchronous>, transform_indices = @transform_4, window_bounds = array<i64: 1, 128>}, {pipeline_mode = #tpu.pipeline_mode<synchronous>, transform_indices = @transform_5, window_bounds = array<i64: 1, 128>}, {transform_indices = @transform_6, window_bounds = array<i64: 7, 4096>}, {transform_indices = @transform_7, window_bounds = array<i64: 1, 4096>}, {transform_indices = @transform_8, window_bounds = array<i64: 256, 4096>}, {pipeline_mode = #tpu.pipeline_mode<synchronous>, transform_indices = @transform_9, window_bounds = array<i64: 1, 256>}, {pipeline_mode = #tpu.pipeline_mode<synchronous>, transform_indices = @transform_10, window_bounds = array<i64: 1, 256>}, {pipeline_mode = #tpu.pipeline_mode<synchronous>, transform_indices = @transform_11, window_bounds = array<i64: 1, 256>}, {pipeline_mode = #tpu.pipeline_mode<synchronous>, transform_indices = @transform_12, window_bounds = array<i64: 5, 256>}, {pipeline_mode = #tpu.pipeline_mode<synchronous>, transform_indices = @transform_13, window_bounds = array<i64: 32, 1>}, {pipeline_mode = #tpu.pipeline_mode<synchronous>, transform_indices = @transform_14, window_bounds = array<i64: 8, 256>}, {pipeline_mode = #tpu.pipeline_mode<synchronous>, transform_indices = @transform_15, window_bounds = array<i64: 8, 256>}, {pipeline_mode = #tpu.pipeline_mode<synchronous>, transform_indices = @transform_16, window_bounds = array<i64: 1, 8>}, {pipeline_mode = #tpu.pipeline_mode<synchronous>, transform_indices = @transform_17, window_bounds = array<i64: 8, 256, 256>}, {pipeline_mode = #tpu.pipeline_mode<synchronous>, transform_indices = @transform_18, window_bounds = array<i64: 8, 256>}, {pipeline_mode = #tpu.pipeline_mode<synchronous>, transform_indices = @transform_19, window_bounds = array<i64: 256, 256>}, {pipeline_mode = #tpu.pipeline_mode<synchronous>, transform_indices = @transform_20, window_bounds = array<i64: 1, 256>}, {pipeline_mode = #tpu.pipeline_mode<synchronous>, transform_indices = @transform_21, window_bounds = array<i64: 1, 256>}, {pipeline_mode = #tpu.pipeline_mode<synchronous>, transform_indices = @transform_22, window_bounds = array<i64: 1, 256>}, {pipeline_mode = #tpu.pipeline_mode<synchronous>, transform_indices = @transform_23, window_bounds = array<i64: 32, 256>}]} {
    %eq3A = arith.constant 0 : i32
    %eq3A_0 = arith.cmpi eq, %arg0, %eq3A : i32
    %convert_element_type3A = arith.extui %eq3A_0 : i1 to i32
    %cond3A = arith.constant 0 : i32
    %cond3A_1 = arith.cmpi ne, %convert_element_type3A, %cond3A : i32
    scf.if %cond3A_1 {
      %get3A_83 = arith.constant 0 : index
      %get3A_84 = arith.constant 0 : index
      %get3A_85 = vector.load %arg1[%get3A_83, %get3A_84] : memref<576x256xf32, #tpu.memory_space<vmem>>, vector<576x256xf32>
      %get3A_86 = arith.constant 0 : index
      %get3A_87 = arith.constant 0 : index
      %get3A_88 = vector.load %arg2[%get3A_86, %get3A_87] : memref<256x128xf32, #tpu.memory_space<vmem>>, vector<256x128xf32>
      %dot_general3A_89 = arith.constant dense<0.000000e+00> : vector<576x128xf32>
      %dot_general3A_90 = tpu.matmul %get3A_85, %get3A_88, %dot_general3A_89 {dimension_numbers = #tpu.dot_dimension_numbers<[1], [0], [0], [1], [0, 0, 1, 1], [], []>, transpose_lhs_hint = false} : vector<576x256xf32>, vector<256x128xf32>, vector<576x128xf32> -> vector<576x128xf32>
      %get3A_91 = arith.constant 0 : index
      %get3A_92 = arith.constant 0 : index
      %get3A_93 = vector.load %arg3[%get3A_91, %get3A_92] : memref<1x128xf32, #tpu.memory_space<vmem>>, vector<1x128xf32>
      %add3A_94 = vector.broadcast %get3A_93 : vector<1x128xf32> to vector<576x128xf32>
      %add3A_95 = arith.addf %dot_general3A_90, %add3A_94 : vector<576x128xf32>
      %mul3A_96 = arith.constant 5.000000e-01 : f32
      %mul3A_97 = vector.broadcast %mul3A_96 : f32 to vector<576x128xf32>
      %mul3A_98 = arith.mulf %add3A_95, %mul3A_97 : vector<576x128xf32>
      %div3A = arith.constant 1.41421354 : f32
      %div3A_99 = vector.broadcast %div3A : f32 to vector<576x128xf32>
      %div3A_100 = arith.divf %add3A_95, %div3A_99 : vector<576x128xf32>
      %erf3A = math.erf %div3A_100 : vector<576x128xf32>
      %add3A_101 = arith.constant 1.000000e+00 : f32
      %add3A_102 = vector.broadcast %add3A_101 : f32 to vector<576x128xf32>
      %add3A_103 = arith.addf %add3A_102, %erf3A : vector<576x128xf32>
      %mul3A_104 = arith.mulf %mul3A_98, %add3A_103 : vector<576x128xf32>
      %get3A_105 = arith.constant 0 : index
      %get3A_106 = arith.constant 0 : index
      %get3A_107 = vector.load %arg5[%get3A_105, %get3A_106] : memref<1x128xf32, #tpu.memory_space<vmem>>, vector<1x128xf32>
      %get3A_108 = arith.constant 0 : index
      %get3A_109 = arith.constant 0 : index
      %get3A_110 = vector.load %arg6[%get3A_108, %get3A_109] : memref<1x128xf32, #tpu.memory_space<vmem>>, vector<1x128xf32>
      %get3A_111 = arith.constant 0 : index
      %get3A_112 = arith.constant 0 : index
      %get3A_113 = vector.load %arg4[%get3A_111, %get3A_112] : memref<1x128xf32, #tpu.memory_space<vmem>>, vector<1x128xf32>
      %reduce_sum3A = arith.constant dense<0.000000e+00> : vector<1xf32>
      %reduce_sum3A_114 = vector.multi_reduction <add>, %get3A_113, %reduce_sum3A [1] : vector<1x128xf32> to vector<1xf32>
      %broadcast_in_dim3A = vector.shape_cast %reduce_sum3A_114 : vector<1xf32> to vector<1x1xf32>
      %div3A_115 = arith.constant 1.280000e+02 : f32
      %div3A_116 = vector.broadcast %div3A_115 : f32 to vector<1x1xf32>
      %div3A_117 = arith.divf %broadcast_in_dim3A, %div3A_116 : vector<1x1xf32>
      %sub3A = vector.broadcast %div3A_117 : vector<1x1xf32> to vector<1x128xf32>
      %sub3A_118 = arith.subf %get3A_113, %sub3A : vector<1x128xf32>
      %integer_pow3A = arith.mulf %sub3A_118, %sub3A_118 : vector<1x128xf32>
      %reduce_sum3A_119 = arith.constant dense<0.000000e+00> : vector<1xf32>
      %reduce_sum3A_120 = vector.multi_reduction <add>, %integer_pow3A, %reduce_sum3A_119 [1] : vector<1x128xf32> to vector<1xf32>
      %broadcast_in_dim3A_121 = vector.shape_cast %reduce_sum3A_120 : vector<1xf32> to vector<1x1xf32>
      %div3A_122 = arith.constant 1.280000e+02 : f32
      %div3A_123 = vector.broadcast %div3A_122 : f32 to vector<1x1xf32>
      %div3A_124 = arith.divf %broadcast_in_dim3A_121, %div3A_123 : vector<1x1xf32>
      %sub3A_125 = vector.broadcast %div3A_117 : vector<1x1xf32> to vector<1x128xf32>
      %sub3A_126 = arith.subf %get3A_113, %sub3A_125 : vector<1x128xf32>
      %add3A_127 = arith.constant 9.99999974E-6 : f32
      %add3A_128 = vector.broadcast %add3A_127 : f32 to vector<1x1xf32>
      %add3A_129 = arith.addf %div3A_124, %add3A_128 : vector<1x1xf32>
      %rsqrt3A = math.rsqrt %add3A_129 : vector<1x1xf32>
      %mul3A_130 = vector.broadcast %rsqrt3A : vector<1x1xf32> to vector<1x128xf32>
      %mul3A_131 = arith.mulf %sub3A_126, %mul3A_130 : vector<1x128xf32>
      %mul3A_132 = arith.mulf %mul3A_131, %get3A_107 : vector<1x128xf32>
      %add3A_133 = arith.addf %mul3A_132, %get3A_110 : vector<1x128xf32>
      %broadcast_in_dim3A_134 = vector.shape_cast %add3A_133 : vector<1x128xf32> to vector<1x128xf32>
      %broadcast_in_dim3A_135 = vector.broadcast %broadcast_in_dim3A_134 : vector<1x128xf32> to vector<32x128xf32>
      %concatenate3A = tpu.concatenate %broadcast_in_dim3A_135, %broadcast_in_dim3A_135, %broadcast_in_dim3A_135, %broadcast_in_dim3A_135, %broadcast_in_dim3A_135, %broadcast_in_dim3A_135, %broadcast_in_dim3A_135, %broadcast_in_dim3A_135, %broadcast_in_dim3A_135, %broadcast_in_dim3A_135, %broadcast_in_dim3A_135, %broadcast_in_dim3A_135, %broadcast_in_dim3A_135, %broadcast_in_dim3A_135, %broadcast_in_dim3A_135, %broadcast_in_dim3A_135, %broadcast_in_dim3A_135, %broadcast_in_dim3A_135, %broadcast_in_dim3A_135, %broadcast_in_dim3A_135, %broadcast_in_dim3A_135, %broadcast_in_dim3A_135, %broadcast_in_dim3A_135, %broadcast_in_dim3A_135, %broadcast_in_dim3A_135, %broadcast_in_dim3A_135, %broadcast_in_dim3A_135, %broadcast_in_dim3A_135, %broadcast_in_dim3A_135, %broadcast_in_dim3A_135, %broadcast_in_dim3A_135, %broadcast_in_dim3A_135 in 1 : vector<32x128xf32>, vector<32x128xf32>, vector<32x128xf32>, vector<32x128xf32>, vector<32x128xf32>, vector<32x128xf32>, vector<32x128xf32>, vector<32x128xf32>, vector<32x128xf32>, vector<32x128xf32>, vector<32x128xf32>, vector<32x128xf32>, vector<32x128xf32>, vector<32x128xf32>, vector<32x128xf32>, vector<32x128xf32>, vector<32x128xf32>, vector<32x128xf32>, vector<32x128xf32>, vector<32x128xf32>, vector<32x128xf32>, vector<32x128xf32>, vector<32x128xf32>, vector<32x128xf32>, vector<32x128xf32>, vector<32x128xf32>, vector<32x128xf32>, vector<32x128xf32>, vector<32x128xf32>, vector<32x128xf32>, vector<32x128xf32>, vector<32x128xf32> -> vector<32x4096xf32>
      %swap3A_136 = arith.constant 0 : index
      %swap3A_137 = arith.constant 0 : index
      %swap3A_138 = arith.constant 0 : index
      %swap3A_139 = vector.load %arg25[%swap3A_136, %swap3A_137, %swap3A_138] : memref<7x32x4096xf32, #tpu.memory_space<vmem>>, vector<1x32x4096xf32>
      %swap3A_140 = vector.shape_cast %swap3A_139 : vector<1x32x4096xf32> to vector<32x4096xf32>
      %swap3A_141 = vector.shape_cast %concatenate3A : vector<32x4096xf32> to vector<1x32x4096xf32>
      tpu.vector_store %arg25[%swap3A_136, %swap3A_137, %swap3A_138], %swap3A_141 {strides = array<i32>} : memref<7x32x4096xf32, #tpu.memory_space<vmem>>, vector<1x32x4096xf32>,
      %slice3A_142 = vector.extract_strided_slice %mul3A_104 {offsets = [0, 0], sizes = [32, 128], strides = [1, 1]} : vector<576x128xf32> to vector<32x128xf32>
      %slice3A_143 = vector.extract_strided_slice %mul3A_104 {offsets = [32, 0], sizes = [32, 128], strides = [1, 1]} : vector<576x128xf32> to vector<32x128xf32>
      %max3A = arith.maximumf %slice3A_142, %slice3A_143 : vector<32x128xf32>
      %slice3A_144 = vector.extract_strided_slice %mul3A_104 {offsets = [64, 0], sizes = [32, 128], strides = [1, 1]} : vector<576x128xf32> to vector<32x128xf32>
      %max3A_145 = arith.maximumf %max3A, %slice3A_144 : vector<32x128xf32>
      %reduce_sum3A_146 = arith.constant dense<0.000000e+00> : vector<32xf32>
      %reduce_sum3A_147 = vector.multi_reduction <add>, %max3A_145, %reduce_sum3A_146 [1] : vector<32x128xf32> to vector<32xf32>
      %broadcast_in_dim3A_148 = vector.shape_cast %reduce_sum3A_147 : vector<32xf32> to vector<32x1xf32>
      %div3A_149 = arith.constant 1.280000e+02 : f32
      %div3A_150 = vector.broadcast %div3A_149 : f32 to vector<32x1xf32>
      %div3A_151 = arith.divf %broadcast_in_dim3A_148, %div3A_150 : vector<32x1xf32>
      %sub3A_152 = vector.broadcast %div3A_151 : vector<32x1xf32> to vector<32x128xf32>
      %sub3A_153 = arith.subf %max3A_145, %sub3A_152 : vector<32x128xf32>
      %integer_pow3A_154 = arith.mulf %sub3A_153, %sub3A_153 : vector<32x128xf32>
      %reduce_sum3A_155 = arith.constant dense<0.000000e+00> : vector<32xf32>
      %reduce_sum3A_156 = vector.multi_reduction <add>, %integer_pow3A_154, %reduce_sum3A_155 [1] : vector<32x128xf32> to vector<32xf32>
      %broadcast_in_dim3A_157 = vector.shape_cast %reduce_sum3A_156 : vector<32xf32> to vector<32x1xf32>
      %div3A_158 = arith.constant 1.280000e+02 : f32
      %div3A_159 = vector.broadcast %div3A_158 : f32 to vector<32x1xf32>
      %div3A_160 = arith.divf %broadcast_in_dim3A_157, %div3A_159 : vector<32x1xf32>
      %sub3A_161 = vector.broadcast %div3A_151 : vector<32x1xf32> to vector<32x128xf32>
      %sub3A_162 = arith.subf %max3A_145, %sub3A_161 : vector<32x128xf32>
      %add3A_163 = arith.constant 9.99999974E-6 : f32
      %add3A_164 = vector.broadcast %add3A_163 : f32 to vector<32x1xf32>
      %add3A_165 = arith.addf %div3A_160, %add3A_164 : vector<32x1xf32>
      %rsqrt3A_166 = math.rsqrt %add3A_165 : vector<32x1xf32>
      %mul3A_167 = vector.broadcast %rsqrt3A_166 : vector<32x1xf32> to vector<32x128xf32>
      %mul3A_168 = arith.mulf %sub3A_162, %mul3A_167 : vector<32x128xf32>
      %mul3A_169 = vector.broadcast %get3A_107 : vector<1x128xf32> to vector<32x128xf32>
      %mul3A_170 = arith.mulf %mul3A_168, %mul3A_169 : vector<32x128xf32>
      %add3A_171 = vector.broadcast %get3A_110 : vector<1x128xf32> to vector<32x128xf32>
      %add3A_172 = arith.addf %mul3A_170, %add3A_171 : vector<32x128xf32>
      %concatenate3A_173 = tpu.concatenate %add3A_172, %add3A_172, %add3A_172, %add3A_172, %add3A_172, %add3A_172, %add3A_172, %add3A_172, %add3A_172, %add3A_172, %add3A_172, %add3A_172, %add3A_172, %add3A_172, %add3A_172, %add3A_172, %add3A_172, %add3A_172, %add3A_172, %add3A_172, %add3A_172, %add3A_172, %add3A_172, %add3A_172, %add3A_172, %add3A_172, %add3A_172, %add3A_172, %add3A_172, %add3A_172, %add3A_172, %add3A_172 in 1 : vector<32x128xf32>, vector<32x128xf32>, vector<32x128xf32>, vector<32x128xf32>, vector<32x128xf32>, vector<32x128xf32>, vector<32x128xf32>, vector<32x128xf32>, vector<32x128xf32>, vector<32x128xf32>, vector<32x128xf32>, vector<32x128xf32>, vector<32x128xf32>, vector<32x128xf32>, vector<32x128xf32>, vector<32x128xf32>, vector<32x128xf32>, vector<32x128xf32>, vector<32x128xf32>, vector<32x128xf32>, vector<32x128xf32>, vector<32x128xf32>, vector<32x128xf32>, vector<32x128xf32>, vector<32x128xf32>, vector<32x128xf32>, vector<32x128xf32>, vector<32x128xf32>, vector<32x128xf32>, vector<32x128xf32>, vector<32x128xf32>, vector<32x128xf32> -> vector<32x4096xf32>
      %swap3A_174 = arith.constant 1 : index
      %swap3A_175 = arith.constant 0 : index
      %swap3A_176 = arith.constant 0 : index
      %swap3A_177 = vector.load %arg25[%swap3A_174, %swap3A_175, %swap3A_176] : memref<7x32x4096xf32, #tpu.memory_space<vmem>>, vector<1x32x4096xf32>
      %swap3A_178 = vector.shape_cast %swap3A_177 : vector<1x32x4096xf32> to vector<32x4096xf32>
      %swap3A_179 = vector.shape_cast %concatenate3A_173 : vector<32x4096xf32> to vector<1x32x4096xf32>
      tpu.vector_store %arg25[%swap3A_174, %swap3A_175, %swap3A_176], %swap3A_179 {strides = array<i32>} : memref<7x32x4096xf32, #tpu.memory_space<vmem>>, vector<1x32x4096xf32>,
      %slice3A_180 = vector.extract_strided_slice %mul3A_104 {offsets = [96, 0], sizes = [32, 128], strides = [1, 1]} : vector<576x128xf32> to vector<32x128xf32>
      %slice3A_181 = vector.extract_strided_slice %mul3A_104 {offsets = [128, 0], sizes = [32, 128], strides = [1, 1]} : vector<576x128xf32> to vector<32x128xf32>
      %max3A_182 = arith.maximumf %slice3A_180, %slice3A_181 : vector<32x128xf32>
      %slice3A_183 = vector.extract_strided_slice %mul3A_104 {offsets = [160, 0], sizes = [32, 128], strides = [1, 1]} : vector<576x128xf32> to vector<32x128xf32>
      %max3A_184 = arith.maximumf %max3A_182, %slice3A_183 : vector<32x128xf32>
      %reduce_sum3A_185 = arith.constant dense<0.000000e+00> : vector<32xf32>
      %reduce_sum3A_186 = vector.multi_reduction <add>, %max3A_184, %reduce_sum3A_185 [1] : vector<32x128xf32> to vector<32xf32>
      %broadcast_in_dim3A_187 = vector.shape_cast %reduce_sum3A_186 : vector<32xf32> to vector<32x1xf32>
      %div3A_188 = arith.constant 1.280000e+02 : f32
      %div3A_189 = vector.broadcast %div3A_188 : f32 to vector<32x1xf32>
      %div3A_190 = arith.divf %broadcast_in_dim3A_187, %div3A_189 : vector<32x1xf32>
      %sub3A_191 = vector.broadcast %div3A_190 : vector<32x1xf32> to vector<32x128xf32>
      %sub3A_192 = arith.subf %max3A_184, %sub3A_191 : vector<32x128xf32>
      %integer_pow3A_193 = arith.mulf %sub3A_192, %sub3A_192 : vector<32x128xf32>
      %reduce_sum3A_194 = arith.constant dense<0.000000e+00> : vector<32xf32>
      %reduce_sum3A_195 = vector.multi_reduction <add>, %integer_pow3A_193, %reduce_sum3A_194 [1] : vector<32x128xf32> to vector<32xf32>
      %broadcast_in_dim3A_196 = vector.shape_cast %reduce_sum3A_195 : vector<32xf32> to vector<32x1xf32>
      %div3A_197 = arith.constant 1.280000e+02 : f32
      %div3A_198 = vector.broadcast %div3A_197 : f32 to vector<32x1xf32>
      %div3A_199 = arith.divf %broadcast_in_dim3A_196, %div3A_198 : vector<32x1xf32>
      %sub3A_200 = vector.broadcast %div3A_190 : vector<32x1xf32> to vector<32x128xf32>
      %sub3A_201 = arith.subf %max3A_184, %sub3A_200 : vector<32x128xf32>
      %add3A_202 = arith.constant 9.99999974E-6 : f32
      %add3A_203 = vector.broadcast %add3A_202 : f32 to vector<32x1xf32>
      %add3A_204 = arith.addf %div3A_199, %add3A_203 : vector<32x1xf32>
      %rsqrt3A_205 = math.rsqrt %add3A_204 : vector<32x1xf32>
      %mul3A_206 = vector.broadcast %rsqrt3A_205 : vector<32x1xf32> to vector<32x128xf32>
      %mul3A_207 = arith.mulf %sub3A_201, %mul3A_206 : vector<32x128xf32>
      %mul3A_208 = vector.broadcast %get3A_107 : vector<1x128xf32> to vector<32x128xf32>
      %mul3A_209 = arith.mulf %mul3A_207, %mul3A_208 : vector<32x128xf32>
      %add3A_210 = vector.broadcast %get3A_110 : vector<1x128xf32> to vector<32x128xf32>
      %add3A_211 = arith.addf %mul3A_209, %add3A_210 : vector<32x128xf32>
      %concatenate3A_212 = tpu.concatenate %add3A_211, %add3A_211, %add3A_211, %add3A_211, %add3A_211, %add3A_211, %add3A_211, %add3A_211, %add3A_211, %add3A_211, %add3A_211, %add3A_211, %add3A_211, %add3A_211, %add3A_211, %add3A_211, %add3A_211, %add3A_211, %add3A_211, %add3A_211, %add3A_211, %add3A_211, %add3A_211, %add3A_211, %add3A_211, %add3A_211, %add3A_211, %add3A_211, %add3A_211, %add3A_211, %add3A_211, %add3A_211 in 1 : vector<32x128xf32>, vector<32x128xf32>, vector<32x128xf32>, vector<32x128xf32>, vector<32x128xf32>, vector<32x128xf32>, vector<32x128xf32>, vector<32x128xf32>, vector<32x128xf32>, vector<32x128xf32>, vector<32x128xf32>, vector<32x128xf32>, vector<32x128xf32>, vector<32x128xf32>, vector<32x128xf32>, vector<32x128xf32>, vector<32x128xf32>, vector<32x128xf32>, vector<32x128xf32>, vector<32x128xf32>, vector<32x128xf32>, vector<32x128xf32>, vector<32x128xf32>, vector<32x128xf32>, vector<32x128xf32>, vector<32x128xf32>, vector<32x128xf32>, vector<32x128xf32>, vector<32x128xf32>, vector<32x128xf32>, vector<32x128xf32>, vector<32x128xf32> -> vector<32x4096xf32>
      %swap3A_213 = arith.constant 2 : index
      %swap3A_214 = arith.constant 0 : index
      %swap3A_215 = arith.constant 0 : index
      %swap3A_216 = vector.load %arg25[%swap3A_213, %swap3A_214, %swap3A_215] : memref<7x32x4096xf32, #tpu.memory_space<vmem>>, vector<1x32x4096xf32>
      %swap3A_217 = vector.shape_cast %swap3A_216 : vector<1x32x4096xf32> to vector<32x4096xf32>
      %swap3A_218 = vector.shape_cast %concatenate3A_212 : vector<32x4096xf32> to vector<1x32x4096xf32>
      tpu.vector_store %arg25[%swap3A_213, %swap3A_214, %swap3A_215], %swap3A_218 {strides = array<i32>} : memref<7x32x4096xf32, #tpu.memory_space<vmem>>, vector<1x32x4096xf32>,
      %slice3A_219 = vector.extract_strided_slice %mul3A_104 {offsets = [192, 0], sizes = [32, 128], strides = [1, 1]} : vector<576x128xf32> to vector<32x128xf32>
      %slice3A_220 = vector.extract_strided_slice %mul3A_104 {offsets = [224, 0], sizes = [32, 128], strides = [1, 1]} : vector<576x128xf32> to vector<32x128xf32>
      %max3A_221 = arith.maximumf %slice3A_219, %slice3A_220 : vector<32x128xf32>
      %slice3A_222 = vector.extract_strided_slice %mul3A_104 {offsets = [256, 0], sizes = [32, 128], strides = [1, 1]} : vector<576x128xf32> to vector<32x128xf32>
      %max3A_223 = arith.maximumf %max3A_221, %slice3A_222 : vector<32x128xf32>
      %reduce_sum3A_224 = arith.constant dense<0.000000e+00> : vector<32xf32>
      %reduce_sum3A_225 = vector.multi_reduction <add>, %max3A_223, %reduce_sum3A_224 [1] : vector<32x128xf32> to vector<32xf32>
      %broadcast_in_dim3A_226 = vector.shape_cast %reduce_sum3A_225 : vector<32xf32> to vector<32x1xf32>
      %div3A_227 = arith.constant 1.280000e+02 : f32
      %div3A_228 = vector.broadcast %div3A_227 : f32 to vector<32x1xf32>
      %div3A_229 = arith.divf %broadcast_in_dim3A_226, %div3A_228 : vector<32x1xf32>
      %sub3A_230 = vector.broadcast %div3A_229 : vector<32x1xf32> to vector<32x128xf32>
      %sub3A_231 = arith.subf %max3A_223, %sub3A_230 : vector<32x128xf32>
      %integer_pow3A_232 = arith.mulf %sub3A_231, %sub3A_231 : vector<32x128xf32>
      %reduce_sum3A_233 = arith.constant dense<0.000000e+00> : vector<32xf32>
      %reduce_sum3A_234 = vector.multi_reduction <add>, %integer_pow3A_232, %reduce_sum3A_233 [1] : vector<32x128xf32> to vector<32xf32>
      %broadcast_in_dim3A_235 = vector.shape_cast %reduce_sum3A_234 : vector<32xf32> to vector<32x1xf32>
      %div3A_236 = arith.constant 1.280000e+02 : f32
      %div3A_237 = vector.broadcast %div3A_236 : f32 to vector<32x1xf32>
      %div3A_238 = arith.divf %broadcast_in_dim3A_235, %div3A_237 : vector<32x1xf32>
      %sub3A_239 = vector.broadcast %div3A_229 : vector<32x1xf32> to vector<32x128xf32>
      %sub3A_240 = arith.subf %max3A_223, %sub3A_239 : vector<32x128xf32>
      %add3A_241 = arith.constant 9.99999974E-6 : f32
      %add3A_242 = vector.broadcast %add3A_241 : f32 to vector<32x1xf32>
      %add3A_243 = arith.addf %div3A_238, %add3A_242 : vector<32x1xf32>
      %rsqrt3A_244 = math.rsqrt %add3A_243 : vector<32x1xf32>
      %mul3A_245 = vector.broadcast %rsqrt3A_244 : vector<32x1xf32> to vector<32x128xf32>
      %mul3A_246 = arith.mulf %sub3A_240, %mul3A_245 : vector<32x128xf32>
      %mul3A_247 = vector.broadcast %get3A_107 : vector<1x128xf32> to vector<32x128xf32>
      %mul3A_248 = arith.mulf %mul3A_246, %mul3A_247 : vector<32x128xf32>
      %add3A_249 = vector.broadcast %get3A_110 : vector<1x128xf32> to vector<32x128xf32>
      %add3A_250 = arith.addf %mul3A_248, %add3A_249 : vector<32x128xf32>
      %concatenate3A_251 = tpu.concatenate %add3A_250, %add3A_250, %add3A_250, %add3A_250, %add3A_250, %add3A_250, %add3A_250, %add3A_250, %add3A_250, %add3A_250, %add3A_250, %add3A_250, %add3A_250, %add3A_250, %add3A_250, %add3A_250, %add3A_250, %add3A_250, %add3A_250, %add3A_250, %add3A_250, %add3A_250, %add3A_250, %add3A_250, %add3A_250, %add3A_250, %add3A_250, %add3A_250, %add3A_250, %add3A_250, %add3A_250, %add3A_250 in 1 : vector<32x128xf32>, vector<32x128xf32>, vector<32x128xf32>, vector<32x128xf32>, vector<32x128xf32>, vector<32x128xf32>, vector<32x128xf32>, vector<32x128xf32>, vector<32x128xf32>, vector<32x128xf32>, vector<32x128xf32>, vector<32x128xf32>, vector<32x128xf32>, vector<32x128xf32>, vector<32x128xf32>, vector<32x128xf32>, vector<32x128xf32>, vector<32x128xf32>, vector<32x128xf32>, vector<32x128xf32>, vector<32x128xf32>, vector<32x128xf32>, vector<32x128xf32>, vector<32x128xf32>, vector<32x128xf32>, vector<32x128xf32>, vector<32x128xf32>, vector<32x128xf32>, vector<32x128xf32>, vector<32x128xf32>, vector<32x128xf32>, vector<32x128xf32> -> vector<32x4096xf32>
      %swap3A_252 = arith.constant 3 : index
      %swap3A_253 = arith.constant 0 : index
      %swap3A_254 = arith.constant 0 : index
      %swap3A_255 = vector.load %arg25[%swap3A_252, %swap3A_253, %swap3A_254] : memref<7x32x4096xf32, #tpu.memory_space<vmem>>, vector<1x32x4096xf32>
      %swap3A_256 = vector.shape_cast %swap3A_255 : vector<1x32x4096xf32> to vector<32x4096xf32>
      %swap3A_257 = vector.shape_cast %concatenate3A_251 : vector<32x4096xf32> to vector<1x32x4096xf32>
      tpu.vector_store %arg25[%swap3A_252, %swap3A_253, %swap3A_254], %swap3A_257 {strides = array<i32>} : memref<7x32x4096xf32, #tpu.memory_space<vmem>>, vector<1x32x4096xf32>,
      %slice3A_258 = vector.extract_strided_slice %mul3A_104 {offsets = [288, 0], sizes = [32, 128], strides = [1, 1]} : vector<576x128xf32> to vector<32x128xf32>
      %slice3A_259 = vector.extract_strided_slice %mul3A_104 {offsets = [320, 0], sizes = [32, 128], strides = [1, 1]} : vector<576x128xf32> to vector<32x128xf32>
      %max3A_260 = arith.maximumf %slice3A_258, %slice3A_259 : vector<32x128xf32>
      %slice3A_261 = vector.extract_strided_slice %mul3A_104 {offsets = [352, 0], sizes = [32, 128], strides = [1, 1]} : vector<576x128xf32> to vector<32x128xf32>
      %max3A_262 = arith.maximumf %max3A_260, %slice3A_261 : vector<32x128xf32>
      %reduce_sum3A_263 = arith.constant dense<0.000000e+00> : vector<32xf32>
      %reduce_sum3A_264 = vector.multi_reduction <add>, %max3A_262, %reduce_sum3A_263 [1] : vector<32x128xf32> to vector<32xf32>
      %broadcast_in_dim3A_265 = vector.shape_cast %reduce_sum3A_264 : vector<32xf32> to vector<32x1xf32>
      %div3A_266 = arith.constant 1.280000e+02 : f32
      %div3A_267 = vector.broadcast %div3A_266 : f32 to vector<32x1xf32>
      %div3A_268 = arith.divf %broadcast_in_dim3A_265, %div3A_267 : vector<32x1xf32>
      %sub3A_269 = vector.broadcast %div3A_268 : vector<32x1xf32> to vector<32x128xf32>
      %sub3A_270 = arith.subf %max3A_262, %sub3A_269 : vector<32x128xf32>
      %integer_pow3A_271 = arith.mulf %sub3A_270, %sub3A_270 : vector<32x128xf32>
      %reduce_sum3A_272 = arith.constant dense<0.000000e+00> : vector<32xf32>
      %reduce_sum3A_273 = vector.multi_reduction <add>, %integer_pow3A_271, %reduce_sum3A_272 [1] : vector<32x128xf32> to vector<32xf32>
      %broadcast_in_dim3A_274 = vector.shape_cast %reduce_sum3A_273 : vector<32xf32> to vector<32x1xf32>
      %div3A_275 = arith.constant 1.280000e+02 : f32
      %div3A_276 = vector.broadcast %div3A_275 : f32 to vector<32x1xf32>
      %div3A_277 = arith.divf %broadcast_in_dim3A_274, %div3A_276 : vector<32x1xf32>
      %sub3A_278 = vector.broadcast %div3A_268 : vector<32x1xf32> to vector<32x128xf32>
      %sub3A_279 = arith.subf %max3A_262, %sub3A_278 : vector<32x128xf32>
      %add3A_280 = arith.constant 9.99999974E-6 : f32
      %add3A_281 = vector.broadcast %add3A_280 : f32 to vector<32x1xf32>
      %add3A_282 = arith.addf %div3A_277, %add3A_281 : vector<32x1xf32>
      %rsqrt3A_283 = math.rsqrt %add3A_282 : vector<32x1xf32>
      %mul3A_284 = vector.broadcast %rsqrt3A_283 : vector<32x1xf32> to vector<32x128xf32>
      %mul3A_285 = arith.mulf %sub3A_279, %mul3A_284 : vector<32x128xf32>
      %mul3A_286 = vector.broadcast %get3A_107 : vector<1x128xf32> to vector<32x128xf32>
      %mul3A_287 = arith.mulf %mul3A_285, %mul3A_286 : vector<32x128xf32>
      %add3A_288 = vector.broadcast %get3A_110 : vector<1x128xf32> to vector<32x128xf32>
      %add3A_289 = arith.addf %mul3A_287, %add3A_288 : vector<32x128xf32>
      %concatenate3A_290 = tpu.concatenate %add3A_289, %add3A_289, %add3A_289, %add3A_289, %add3A_289, %add3A_289, %add3A_289, %add3A_289, %add3A_289, %add3A_289, %add3A_289, %add3A_289, %add3A_289, %add3A_289, %add3A_289, %add3A_289, %add3A_289, %add3A_289, %add3A_289, %add3A_289, %add3A_289, %add3A_289, %add3A_289, %add3A_289, %add3A_289, %add3A_289, %add3A_289, %add3A_289, %add3A_289, %add3A_289, %add3A_289, %add3A_289 in 1 : vector<32x128xf32>, vector<32x128xf32>, vector<32x128xf32>, vector<32x128xf32>, vector<32x128xf32>, vector<32x128xf32>, vector<32x128xf32>, vector<32x128xf32>, vector<32x128xf32>, vector<32x128xf32>, vector<32x128xf32>, vector<32x128xf32>, vector<32x128xf32>, vector<32x128xf32>, vector<32x128xf32>, vector<32x128xf32>, vector<32x128xf32>, vector<32x128xf32>, vector<32x128xf32>, vector<32x128xf32>, vector<32x128xf32>, vector<32x128xf32>, vector<32x128xf32>, vector<32x128xf32>, vector<32x128xf32>, vector<32x128xf32>, vector<32x128xf32>, vector<32x128xf32>, vector<32x128xf32>, vector<32x128xf32>, vector<32x128xf32>, vector<32x128xf32> -> vector<32x4096xf32>
      %swap3A_291 = arith.constant 4 : index
      %swap3A_292 = arith.constant 0 : index
      %swap3A_293 = arith.constant 0 : index
      %swap3A_294 = vector.load %arg25[%swap3A_291, %swap3A_292, %swap3A_293] : memref<7x32x4096xf32, #tpu.memory_space<vmem>>, vector<1x32x4096xf32>
      %swap3A_295 = vector.shape_cast %swap3A_294 : vector<1x32x4096xf32> to vector<32x4096xf32>
      %swap3A_296 = vector.shape_cast %concatenate3A_290 : vector<32x4096xf32> to vector<1x32x4096xf32>
      tpu.vector_store %arg25[%swap3A_291, %swap3A_292, %swap3A_293], %swap3A_296 {strides = array<i32>} : memref<7x32x4096xf32, #tpu.memory_space<vmem>>, vector<1x32x4096xf32>,
      %slice3A_297 = vector.extract_strided_slice %mul3A_104 {offsets = [384, 0], sizes = [32, 128], strides = [1, 1]} : vector<576x128xf32> to vector<32x128xf32>
      %slice3A_298 = vector.extract_strided_slice %mul3A_104 {offsets = [416, 0], sizes = [32, 128], strides = [1, 1]} : vector<576x128xf32> to vector<32x128xf32>
      %max3A_299 = arith.maximumf %slice3A_297, %slice3A_298 : vector<32x128xf32>
      %slice3A_300 = vector.extract_strided_slice %mul3A_104 {offsets = [448, 0], sizes = [32, 128], strides = [1, 1]} : vector<576x128xf32> to vector<32x128xf32>
      %max3A_301 = arith.maximumf %max3A_299, %slice3A_300 : vector<32x128xf32>
      %reduce_sum3A_302 = arith.constant dense<0.000000e+00> : vector<32xf32>
      %reduce_sum3A_303 = vector.multi_reduction <add>, %max3A_301, %reduce_sum3A_302 [1] : vector<32x128xf32> to vector<32xf32>
      %broadcast_in_dim3A_304 = vector.shape_cast %reduce_sum3A_303 : vector<32xf32> to vector<32x1xf32>
      %div3A_305 = arith.constant 1.280000e+02 : f32
      %div3A_306 = vector.broadcast %div3A_305 : f32 to vector<32x1xf32>
      %div3A_307 = arith.divf %broadcast_in_dim3A_304, %div3A_306 : vector<32x1xf32>
      %sub3A_308 = vector.broadcast %div3A_307 : vector<32x1xf32> to vector<32x128xf32>
      %sub3A_309 = arith.subf %max3A_301, %sub3A_308 : vector<32x128xf32>
      %integer_pow3A_310 = arith.mulf %sub3A_309, %sub3A_309 : vector<32x128xf32>
      %reduce_sum3A_311 = arith.constant dense<0.000000e+00> : vector<32xf32>
      %reduce_sum3A_312 = vector.multi_reduction <add>, %integer_pow3A_310, %reduce_sum3A_311 [1] : vector<32x128xf32> to vector<32xf32>
      %broadcast_in_dim3A_313 = vector.shape_cast %reduce_sum3A_312 : vector<32xf32> to vector<32x1xf32>
      %div3A_314 = arith.constant 1.280000e+02 : f32
      %div3A_315 = vector.broadcast %div3A_314 : f32 to vector<32x1xf32>
      %div3A_316 = arith.divf %broadcast_in_dim3A_313, %div3A_315 : vector<32x1xf32>
      %sub3A_317 = vector.broadcast %div3A_307 : vector<32x1xf32> to vector<32x128xf32>
      %sub3A_318 = arith.subf %max3A_301, %sub3A_317 : vector<32x128xf32>
      %add3A_319 = arith.constant 9.99999974E-6 : f32
      %add3A_320 = vector.broadcast %add3A_319 : f32 to vector<32x1xf32>
      %add3A_321 = arith.addf %div3A_316, %add3A_320 : vector<32x1xf32>
      %rsqrt3A_322 = math.rsqrt %add3A_321 : vector<32x1xf32>
      %mul3A_323 = vector.broadcast %rsqrt3A_322 : vector<32x1xf32> to vector<32x128xf32>
      %mul3A_324 = arith.mulf %sub3A_318, %mul3A_323 : vector<32x128xf32>
      %mul3A_325 = vector.broadcast %get3A_107 : vector<1x128xf32> to vector<32x128xf32>
      %mul3A_326 = arith.mulf %mul3A_324, %mul3A_325 : vector<32x128xf32>
      %add3A_327 = vector.broadcast %get3A_110 : vector<1x128xf32> to vector<32x128xf32>
      %add3A_328 = arith.addf %mul3A_326, %add3A_327 : vector<32x128xf32>
      %concatenate3A_329 = tpu.concatenate %add3A_328, %add3A_328, %add3A_328, %add3A_328, %add3A_328, %add3A_328, %add3A_328, %add3A_328, %add3A_328, %add3A_328, %add3A_328, %add3A_328, %add3A_328, %add3A_328, %add3A_328, %add3A_328, %add3A_328, %add3A_328, %add3A_328, %add3A_328, %add3A_328, %add3A_328, %add3A_328, %add3A_328, %add3A_328, %add3A_328, %add3A_328, %add3A_328, %add3A_328, %add3A_328, %add3A_328, %add3A_328 in 1 : vector<32x128xf32>, vector<32x128xf32>, vector<32x128xf32>, vector<32x128xf32>, vector<32x128xf32>, vector<32x128xf32>, vector<32x128xf32>, vector<32x128xf32>, vector<32x128xf32>, vector<32x128xf32>, vector<32x128xf32>, vector<32x128xf32>, vector<32x128xf32>, vector<32x128xf32>, vector<32x128xf32>, vector<32x128xf32>, vector<32x128xf32>, vector<32x128xf32>, vector<32x128xf32>, vector<32x128xf32>, vector<32x128xf32>, vector<32x128xf32>, vector<32x128xf32>, vector<32x128xf32>, vector<32x128xf32>, vector<32x128xf32>, vector<32x128xf32>, vector<32x128xf32>, vector<32x128xf32>, vector<32x128xf32>, vector<32x128xf32>, vector<32x128xf32> -> vector<32x4096xf32>
      %swap3A_330 = arith.constant 5 : index
      %swap3A_331 = arith.constant 0 : index
      %swap3A_332 = arith.constant 0 : index
      %swap3A_333 = vector.load %arg25[%swap3A_330, %swap3A_331, %swap3A_332] : memref<7x32x4096xf32, #tpu.memory_space<vmem>>, vector<1x32x4096xf32>
      %swap3A_334 = vector.shape_cast %swap3A_333 : vector<1x32x4096xf32> to vector<32x4096xf32>
      %swap3A_335 = vector.shape_cast %concatenate3A_329 : vector<32x4096xf32> to vector<1x32x4096xf32>
      tpu.vector_store %arg25[%swap3A_330, %swap3A_331, %swap3A_332], %swap3A_335 {strides = array<i32>} : memref<7x32x4096xf32, #tpu.memory_space<vmem>>, vector<1x32x4096xf32>,
      %slice3A_336 = vector.extract_strided_slice %mul3A_104 {offsets = [480, 0], sizes = [32, 128], strides = [1, 1]} : vector<576x128xf32> to vector<32x128xf32>
      %slice3A_337 = vector.extract_strided_slice %mul3A_104 {offsets = [512, 0], sizes = [32, 128], strides = [1, 1]} : vector<576x128xf32> to vector<32x128xf32>
      %max3A_338 = arith.maximumf %slice3A_336, %slice3A_337 : vector<32x128xf32>
      %slice3A_339 = vector.extract_strided_slice %mul3A_104 {offsets = [544, 0], sizes = [32, 128], strides = [1, 1]} : vector<576x128xf32> to vector<32x128xf32>
      %max3A_340 = arith.maximumf %max3A_338, %slice3A_339 : vector<32x128xf32>
      %reduce_sum3A_341 = arith.constant dense<0.000000e+00> : vector<32xf32>
      %reduce_sum3A_342 = vector.multi_reduction <add>, %max3A_340, %reduce_sum3A_341 [1] : vector<32x128xf32> to vector<32xf32>
      %broadcast_in_dim3A_343 = vector.shape_cast %reduce_sum3A_342 : vector<32xf32> to vector<32x1xf32>
      %div3A_344 = arith.constant 1.280000e+02 : f32
      %div3A_345 = vector.broadcast %div3A_344 : f32 to vector<32x1xf32>
      %div3A_346 = arith.divf %broadcast_in_dim3A_343, %div3A_345 : vector<32x1xf32>
      %sub3A_347 = vector.broadcast %div3A_346 : vector<32x1xf32> to vector<32x128xf32>
      %sub3A_348 = arith.subf %max3A_340, %sub3A_347 : vector<32x128xf32>
      %integer_pow3A_349 = arith.mulf %sub3A_348, %sub3A_348 : vector<32x128xf32>
      %reduce_sum3A_350 = arith.constant dense<0.000000e+00> : vector<32xf32>
      %reduce_sum3A_351 = vector.multi_reduction <add>, %integer_pow3A_349, %reduce_sum3A_350 [1] : vector<32x128xf32> to vector<32xf32>
      %broadcast_in_dim3A_352 = vector.shape_cast %reduce_sum3A_351 : vector<32xf32> to vector<32x1xf32>
      %div3A_353 = arith.constant 1.280000e+02 : f32
      %div3A_354 = vector.broadcast %div3A_353 : f32 to vector<32x1xf32>
      %div3A_355 = arith.divf %broadcast_in_dim3A_352, %div3A_354 : vector<32x1xf32>
      %sub3A_356 = vector.broadcast %div3A_346 : vector<32x1xf32> to vector<32x128xf32>
      %sub3A_357 = arith.subf %max3A_340, %sub3A_356 : vector<32x128xf32>
      %add3A_358 = arith.constant 9.99999974E-6 : f32
      %add3A_359 = vector.broadcast %add3A_358 : f32 to vector<32x1xf32>
      %add3A_360 = arith.addf %div3A_355, %add3A_359 : vector<32x1xf32>
      %rsqrt3A_361 = math.rsqrt %add3A_360 : vector<32x1xf32>
      %mul3A_362 = vector.broadcast %rsqrt3A_361 : vector<32x1xf32> to vector<32x128xf32>
      %mul3A_363 = arith.mulf %sub3A_357, %mul3A_362 : vector<32x128xf32>
      %mul3A_364 = vector.broadcast %get3A_107 : vector<1x128xf32> to vector<32x128xf32>
      %mul3A_365 = arith.mulf %mul3A_363, %mul3A_364 : vector<32x128xf32>
      %add3A_366 = vector.broadcast %get3A_110 : vector<1x128xf32> to vector<32x128xf32>
      %add3A_367 = arith.addf %mul3A_365, %add3A_366 : vector<32x128xf32>
      %concatenate3A_368 = tpu.concatenate %add3A_367, %add3A_367, %add3A_367, %add3A_367, %add3A_367, %add3A_367, %add3A_367, %add3A_367, %add3A_367, %add3A_367, %add3A_367, %add3A_367, %add3A_367, %add3A_367, %add3A_367, %add3A_367, %add3A_367, %add3A_367, %add3A_367, %add3A_367, %add3A_367, %add3A_367, %add3A_367, %add3A_367, %add3A_367, %add3A_367, %add3A_367, %add3A_367, %add3A_367, %add3A_367, %add3A_367, %add3A_367 in 1 : vector<32x128xf32>, vector<32x128xf32>, vector<32x128xf32>, vector<32x128xf32>, vector<32x128xf32>, vector<32x128xf32>, vector<32x128xf32>, vector<32x128xf32>, vector<32x128xf32>, vector<32x128xf32>, vector<32x128xf32>, vector<32x128xf32>, vector<32x128xf32>, vector<32x128xf32>, vector<32x128xf32>, vector<32x128xf32>, vector<32x128xf32>, vector<32x128xf32>, vector<32x128xf32>, vector<32x128xf32>, vector<32x128xf32>, vector<32x128xf32>, vector<32x128xf32>, vector<32x128xf32>, vector<32x128xf32>, vector<32x128xf32>, vector<32x128xf32>, vector<32x128xf32>, vector<32x128xf32>, vector<32x128xf32>, vector<32x128xf32>, vector<32x128xf32> -> vector<32x4096xf32>
      %swap3A_369 = arith.constant 6 : index
      %swap3A_370 = arith.constant 0 : index
      %swap3A_371 = arith.constant 0 : index
      %swap3A_372 = vector.load %arg25[%swap3A_369, %swap3A_370, %swap3A_371] : memref<7x32x4096xf32, #tpu.memory_space<vmem>>, vector<1x32x4096xf32>
      %swap3A_373 = vector.shape_cast %swap3A_372 : vector<1x32x4096xf32> to vector<32x4096xf32>
      %swap3A_374 = vector.shape_cast %concatenate3A_368 : vector<32x4096xf32> to vector<1x32x4096xf32>
      tpu.vector_store %arg25[%swap3A_369, %swap3A_370, %swap3A_371], %swap3A_374 {strides = array<i32>} : memref<7x32x4096xf32, #tpu.memory_space<vmem>>, vector<1x32x4096xf32>,
      %broadcast_in_dim3A_375 = arith.constant 0.000000e+00 : f32
      %broadcast_in_dim3A_376 = vector.broadcast %broadcast_in_dim3A_375 : f32 to vector<32x256xf32>
      %swap3A_377 = arith.constant 0 : index
      %swap3A_378 = arith.constant 0 : index
      %swap3A_379 = vector.load %arg26[%swap3A_377, %swap3A_378] : memref<32x256xf32, #tpu.memory_space<vmem>>, vector<32x256xf32>
      tpu.vector_store %arg26[%swap3A_377, %swap3A_378], %broadcast_in_dim3A_376 {strides = array<i32>} : memref<32x256xf32, #tpu.memory_space<vmem>>, vector<32x256xf32>,
    } else {
    }
    %get3A = arith.constant 0 : index
    %get3A_2 = arith.constant 0 : index
    %get3A_3 = vector.load %arg7[%get3A, %get3A_2] : memref<7x4096xf32, #tpu.memory_space<vmem>>, vector<7x4096xf32>
    %get3A_4 = arith.constant 0 : index
    %get3A_5 = arith.constant 0 : index
    %get3A_6 = vector.load %arg8[%get3A_4, %get3A_5] : memref<1x4096xf32, #tpu.memory_space<vmem>>, vector<1x4096xf32>
    %get3A_7 = arith.constant 0 : index
    %get3A_8 = arith.constant 0 : index
    %get3A_9 = arith.constant 0 : index
    %get3A_10 = vector.load %arg25[%get3A_7, %get3A_8, %get3A_9] : memref<7x32x4096xf32, #tpu.memory_space<vmem>>, vector<1x32x4096xf32>
    %get3A_11 = vector.shape_cast %get3A_10 : vector<1x32x4096xf32> to vector<32x4096xf32>
    %slice3A = vector.extract_strided_slice %get3A_3 {offsets = [0, 0], sizes = [1, 4096], strides = [1, 1]} : vector<7x4096xf32> to vector<1x4096xf32>
    %mul3A = vector.broadcast %slice3A : vector<1x4096xf32> to vector<32x4096xf32>
    %mul3A_12 = arith.mulf %get3A_11, %mul3A : vector<32x4096xf32>
    %add3A = vector.broadcast %get3A_6 : vector<1x4096xf32> to vector<32x4096xf32>
    %add3A_13 = arith.addf %add3A, %mul3A_12 : vector<32x4096xf32>
    %get3A_14 = arith.constant 1 : index
    %get3A_15 = arith.constant 0 : index
    %get3A_16 = arith.constant 0 : index
    %get3A_17 = vector.load %arg25[%get3A_14, %get3A_15, %get3A_16] : memref<7x32x4096xf32, #tpu.memory_space<vmem>>, vector<1x32x4096xf32>
    %get3A_18 = vector.shape_cast %get3A_17 : vector<1x32x4096xf32> to vector<32x4096xf32>
    %slice3A_19 = vector.extract_strided_slice %get3A_3 {offsets = [1, 0], sizes = [1, 4096], strides = [1, 1]} : vector<7x4096xf32> to vector<1x4096xf32>
    %mul3A_20 = vector.broadcast %slice3A_19 : vector<1x4096xf32> to vector<32x4096xf32>
    %mul3A_21 = arith.mulf %get3A_18, %mul3A_20 : vector<32x4096xf32>
    %add3A_22 = arith.addf %add3A_13, %mul3A_21 : vector<32x4096xf32>
    %get3A_23 = arith.constant 2 : index
    %get3A_24 = arith.constant 0 : index
    %get3A_25 = arith.constant 0 : index
    %get3A_26 = vector.load %arg25[%get3A_23, %get3A_24, %get3A_25] : memref<7x32x4096xf32, #tpu.memory_space<vmem>>, vector<1x32x4096xf32>
    %get3A_27 = vector.shape_cast %get3A_26 : vector<1x32x4096xf32> to vector<32x4096xf32>
    %slice3A_28 = vector.extract_strided_slice %get3A_3 {offsets = [2, 0], sizes = [1, 4096], strides = [1, 1]} : vector<7x4096xf32> to vector<1x4096xf32>
    %mul3A_29 = vector.broadcast %slice3A_28 : vector<1x4096xf32> to vector<32x4096xf32>
    %mul3A_30 = arith.mulf %get3A_27, %mul3A_29 : vector<32x4096xf32>
    %add3A_31 = arith.addf %add3A_22, %mul3A_30 : vector<32x4096xf32>
    %get3A_32 = arith.constant 3 : index
    %get3A_33 = arith.constant 0 : index
    %get3A_34 = arith.constant 0 : index
    %get3A_35 = vector.load %arg25[%get3A_32, %get3A_33, %get3A_34] : memref<7x32x4096xf32, #tpu.memory_space<vmem>>, vector<1x32x4096xf32>
    %get3A_36 = vector.shape_cast %get3A_35 : vector<1x32x4096xf32> to vector<32x4096xf32>
    %slice3A_37 = vector.extract_strided_slice %get3A_3 {offsets = [3, 0], sizes = [1, 4096], strides = [1, 1]} : vector<7x4096xf32> to vector<1x4096xf32>
    %mul3A_38 = vector.broadcast %slice3A_37 : vector<1x4096xf32> to vector<32x4096xf32>
    %mul3A_39 = arith.mulf %get3A_36, %mul3A_38 : vector<32x4096xf32>
    %add3A_40 = arith.addf %add3A_31, %mul3A_39 : vector<32x4096xf32>
    %get3A_41 = arith.constant 4 : index
    %get3A_42 = arith.constant 0 : index
    %get3A_43 = arith.constant 0 : index
    %get3A_44 = vector.load %arg25[%get3A_41, %get3A_42, %get3A_43] : memref<7x32x4096xf32, #tpu.memory_space<vmem>>, vector<1x32x4096xf32>
    %get3A_45 = vector.shape_cast %get3A_44 : vector<1x32x4096xf32> to vector<32x4096xf32>
    %slice3A_46 = vector.extract_strided_slice %get3A_3 {offsets = [4, 0], sizes = [1, 4096], strides = [1, 1]} : vector<7x4096xf32> to vector<1x4096xf32>
    %mul3A_47 = vector.broadcast %slice3A_46 : vector<1x4096xf32> to vector<32x4096xf32>
    %mul3A_48 = arith.mulf %get3A_45, %mul3A_47 : vector<32x4096xf32>
    %add3A_49 = arith.addf %add3A_40, %mul3A_48 : vector<32x4096xf32>
    %get3A_50 = arith.constant 5 : index
    %get3A_51 = arith.constant 0 : index
    %get3A_52 = arith.constant 0 : index
    %get3A_53 = vector.load %arg25[%get3A_50, %get3A_51, %get3A_52] : memref<7x32x4096xf32, #tpu.memory_space<vmem>>, vector<1x32x4096xf32>
    %get3A_54 = vector.shape_cast %get3A_53 : vector<1x32x4096xf32> to vector<32x4096xf32>
    %slice3A_55 = vector.extract_strided_slice %get3A_3 {offsets = [5, 0], sizes = [1, 4096], strides = [1, 1]} : vector<7x4096xf32> to vector<1x4096xf32>
    %mul3A_56 = vector.broadcast %slice3A_55 : vector<1x4096xf32> to vector<32x4096xf32>
    %mul3A_57 = arith.mulf %get3A_54, %mul3A_56 : vector<32x4096xf32>
    %add3A_58 = arith.addf %add3A_49, %mul3A_57 : vector<32x4096xf32>
    %get3A_59 = arith.constant 6 : index
    %get3A_60 = arith.constant 0 : index
    %get3A_61 = arith.constant 0 : index
    %get3A_62 = vector.load %arg25[%get3A_59, %get3A_60, %get3A_61] : memref<7x32x4096xf32, #tpu.memory_space<vmem>>, vector<1x32x4096xf32>
    %get3A_63 = vector.shape_cast %get3A_62 : vector<1x32x4096xf32> to vector<32x4096xf32>
    %slice3A_64 = vector.extract_strided_slice %get3A_3 {offsets = [6, 0], sizes = [1, 4096], strides = [1, 1]} : vector<7x4096xf32> to vector<1x4096xf32>
    %mul3A_65 = vector.broadcast %slice3A_64 : vector<1x4096xf32> to vector<32x4096xf32>
    %mul3A_66 = arith.mulf %get3A_63, %mul3A_65 : vector<32x4096xf32>
    %add3A_67 = arith.addf %add3A_58, %mul3A_66 : vector<32x4096xf32>
    %get3A_68 = arith.constant 0 : index
    %get3A_69 = arith.constant 0 : index
    %get3A_70 = vector.load %arg26[%get3A_68, %get3A_69] : memref<32x256xf32, #tpu.memory_space<vmem>>, vector<32x256xf32>
    %get3A_71 = arith.constant 0 : index
    %get3A_72 = arith.constant 0 : index
    %get3A_73 = vector.load %arg9[%get3A_71, %get3A_72] : memref<256x4096xf32, #tpu.memory_space<vmem>>, vector<256x4096xf32>
    %dot_general3A = arith.constant dense<0.000000e+00> : vector<32x256xf32>
    %dot_general3A_74 = tpu.matmul %add3A_67, %get3A_73, %dot_general3A {dimension_numbers = #tpu.dot_dimension_numbers<[1], [1], [0], [0], [0, 0, 1, 0], [], []>, transpose_lhs_hint = false} : vector<32x4096xf32>, vector<256x4096xf32>, vector<32x256xf32> -> vector<32x256xf32>
    %add3A_75 = arith.addf %get3A_70, %dot_general3A_74 : vector<32x256xf32>
    %swap3A = arith.constant 0 : index
    %swap3A_76 = arith.constant 0 : index
    %swap3A_77 = vector.load %arg26[%swap3A, %swap3A_76] : memref<32x256xf32, #tpu.memory_space<vmem>>, vector<32x256xf32>
    tpu.vector_store %arg26[%swap3A, %swap3A_76], %add3A_75 {strides = array<i32>} : memref<32x256xf32, #tpu.memory_space<vmem>>, vector<32x256xf32>,
    %eq3A_78 = arith.constant 7 : i32
    %eq3A_79 = arith.cmpi eq, %arg0, %eq3A_78 : i32
    %convert_element_type3A_80 = arith.extui %eq3A_79 : i1 to i32
    %cond3A_81 = arith.constant 0 : i32
    %cond3A_82 = arith.cmpi ne, %convert_element_type3A_80, %cond3A_81 : i32
    scf.if %cond3A_82 {
      %get3A_83 = arith.constant 0 : index
      %get3A_84 = arith.constant 0 : index
      %get3A_85 = vector.load %arg26[%get3A_83, %get3A_84] : memref<32x256xf32, #tpu.memory_space<vmem>>, vector<32x256xf32>
      %get3A_86 = arith.constant 0 : index
      %get3A_87 = arith.constant 0 : index
      %get3A_88 = vector.load %arg10[%get3A_86, %get3A_87] : memref<1x256xf32, #tpu.memory_space<vmem>>, vector<1x256xf32>
      %add3A_89 = vector.broadcast %get3A_88 : vector<1x256xf32> to vector<32x256xf32>
      %add3A_90 = arith.addf %get3A_85, %add3A_89 : vector<32x256xf32>
      %get3A_91 = arith.constant 0 : index
      %get3A_92 = arith.constant 0 : index
      %get3A_93 = vector.load %arg11[%get3A_91, %get3A_92] : memref<1x256xf32, #tpu.memory_space<vmem>>, vector<1x256xf32>
      %get3A_94 = arith.constant 0 : index
      %get3A_95 = arith.constant 0 : index
      %get3A_96 = vector.load %arg12[%get3A_94, %get3A_95] : memref<1x256xf32, #tpu.memory_space<vmem>>, vector<1x256xf32>
      %reduce_sum3A = arith.constant dense<0.000000e+00> : vector<32xf32>
      %reduce_sum3A_97 = vector.multi_reduction <add>, %add3A_90, %reduce_sum3A [1] : vector<32x256xf32> to vector<32xf32>
      %broadcast_in_dim3A = vector.shape_cast %reduce_sum3A_97 : vector<32xf32> to vector<32x1xf32>
      %div3A = arith.constant 2.560000e+02 : f32
      %div3A_98 = vector.broadcast %div3A : f32 to vector<32x1xf32>
      %div3A_99 = arith.divf %broadcast_in_dim3A, %div3A_98 : vector<32x1xf32>
      %sub3A = vector.broadcast %div3A_99 : vector<32x1xf32> to vector<32x256xf32>
      %sub3A_100 = arith.subf %add3A_90, %sub3A : vector<32x256xf32>
      %integer_pow3A = arith.mulf %sub3A_100, %sub3A_100 : vector<32x256xf32>
      %reduce_sum3A_101 = arith.constant dense<0.000000e+00> : vector<32xf32>
      %reduce_sum3A_102 = vector.multi_reduction <add>, %integer_pow3A, %reduce_sum3A_101 [1] : vector<32x256xf32> to vector<32xf32>
      %broadcast_in_dim3A_103 = vector.shape_cast %reduce_sum3A_102 : vector<32xf32> to vector<32x1xf32>
      %div3A_104 = arith.constant 2.560000e+02 : f32
      %div3A_105 = vector.broadcast %div3A_104 : f32 to vector<32x1xf32>
      %div3A_106 = arith.divf %broadcast_in_dim3A_103, %div3A_105 : vector<32x1xf32>
      %sub3A_107 = vector.broadcast %div3A_99 : vector<32x1xf32> to vector<32x256xf32>
      %sub3A_108 = arith.subf %add3A_90, %sub3A_107 : vector<32x256xf32>
      %add3A_109 = arith.constant 9.99999974E-6 : f32
      %add3A_110 = vector.broadcast %add3A_109 : f32 to vector<32x1xf32>
      %add3A_111 = arith.addf %div3A_106, %add3A_110 : vector<32x1xf32>
      %rsqrt3A = math.rsqrt %add3A_111 : vector<32x1xf32>
      %mul3A_112 = vector.broadcast %rsqrt3A : vector<32x1xf32> to vector<32x256xf32>
      %mul3A_113 = arith.mulf %sub3A_108, %mul3A_112 : vector<32x256xf32>
      %mul3A_114 = vector.broadcast %get3A_93 : vector<1x256xf32> to vector<32x256xf32>
      %mul3A_115 = arith.mulf %mul3A_113, %mul3A_114 : vector<32x256xf32>
      %add3A_116 = vector.broadcast %get3A_96 : vector<1x256xf32> to vector<32x256xf32>
      %add3A_117 = arith.addf %mul3A_115, %add3A_116 : vector<32x256xf32>
      %mul3A_118 = arith.constant 5.000000e-01 : f32
      %mul3A_119 = vector.broadcast %mul3A_118 : f32 to vector<32x256xf32>
      %mul3A_120 = arith.mulf %add3A_117, %mul3A_119 : vector<32x256xf32>
      %div3A_121 = arith.constant 1.41421354 : f32
      %div3A_122 = vector.broadcast %div3A_121 : f32 to vector<32x256xf32>
      %div3A_123 = arith.divf %add3A_117, %div3A_122 : vector<32x256xf32>
      %erf3A = math.erf %div3A_123 : vector<32x256xf32>
      %add3A_124 = arith.constant 1.000000e+00 : f32
      %add3A_125 = vector.broadcast %add3A_124 : f32 to vector<32x256xf32>
      %add3A_126 = arith.addf %add3A_125, %erf3A : vector<32x256xf32>
      %mul3A_127 = arith.mulf %mul3A_120, %add3A_126 : vector<32x256xf32>
      %get3A_128 = arith.constant 0 : index
      %get3A_129 = arith.constant 0 : index
      %get3A_130 = vector.load %arg14[%get3A_128, %get3A_129] : memref<32x1xi32, #tpu.memory_space<vmem>>, vector<32x1xi32>
      %iota3A = tpu.iota {dimensions = array<i32: 1>} : vector<32x5xi32>
      %eq3A_131 = vector.broadcast %get3A_130 : vector<32x1xi32> to vector<32x5xi32>
      %eq3A_132 = arith.cmpi eq, %iota3A, %eq3A_131 : vector<32x5xi32>
      %convert_element_type3A_133 = arith.extui %eq3A_132 : vector<32x5xi1> to vector<32x5xi32>
      %convert_element_type3A_134 = arith.sitofp %convert_element_type3A_133 : vector<32x5xi32> to vector<32x5xf32>
      %get3A_135 = arith.constant 0 : index
      %get3A_136 = arith.constant 0 : index
      %get3A_137 = vector.load %arg13[%get3A_135, %get3A_136] : memref<5x256xf32, #tpu.memory_space<vmem>>, vector<5x256xf32>
      %dot_general3A_138 = arith.constant dense<0.000000e+00> : vector<32x256xf32>
      %dot_general3A_139 = tpu.matmul %convert_element_type3A_134, %get3A_137, %dot_general3A_138 {dimension_numbers = #tpu.dot_dimension_numbers<[1], [0], [0], [1], [0, 0, 1, 1], [], []>, transpose_lhs_hint = false} : vector<32x5xf32>, vector<5x256xf32>, vector<32x256xf32> -> vector<32x256xf32>
      %get3A_140 = arith.constant 0 : index
      %get3A_141 = arith.constant 0 : index
      %get3A_142 = vector.load %arg15[%get3A_140, %get3A_141] : memref<8x256xf32, #tpu.memory_space<vmem>>, vector<8x256xf32>
      %dot_general3A_143 = arith.constant dense<0.000000e+00> : vector<32x8xf32>
      %dot_general3A_144 = tpu.matmul %mul3A_127, %get3A_142, %dot_general3A_143 {dimension_numbers = #tpu.dot_dimension_numbers<[1], [1], [0], [0], [0, 0, 1, 0], [], []>, transpose_lhs_hint = false} : vector<32x256xf32>, vector<8x256xf32>, vector<32x8xf32> -> vector<32x8xf32>
      %get3A_145 = arith.constant 0 : index
      %get3A_146 = arith.constant 0 : index
      %get3A_147 = vector.load %arg16[%get3A_145, %get3A_146] : memref<8x256xf32, #tpu.memory_space<vmem>>, vector<8x256xf32>
      %dot_general3A_148 = arith.constant dense<0.000000e+00> : vector<32x8xf32>
      %dot_general3A_149 = tpu.matmul %dot_general3A_139, %get3A_147, %dot_general3A_148 {dimension_numbers = #tpu.dot_dimension_numbers<[1], [1], [0], [0], [0, 0, 1, 0], [], []>, transpose_lhs_hint = false} : vector<32x256xf32>, vector<8x256xf32>, vector<32x8xf32> -> vector<32x8xf32>
      %add3A_150 = arith.addf %dot_general3A_144, %dot_general3A_149 : vector<32x8xf32>
      %get3A_151 = arith.constant 0 : index
      %get3A_152 = arith.constant 0 : index
      %get3A_153 = vector.load %arg17[%get3A_151, %get3A_152] : memref<1x8xf32, #tpu.memory_space<vmem>>, vector<1x8xf32>
      %add3A_154 = vector.broadcast %get3A_153 : vector<1x8xf32> to vector<32x8xf32>
      %add3A_155 = arith.addf %add3A_150, %add3A_154 : vector<32x8xf32>
      %iota3A_156 = tpu.iota {dimensions = array<i32: 1>} : vector<32x8xi32>
      %reduce_max3A = arith.constant dense<0xFF800000> : vector<32xf32>
      %reduce_max3A_157 = vector.multi_reduction <maximumf>, %add3A_155, %reduce_max3A [1] : vector<32x8xf32> to vector<32xf32>
      %broadcast_in_dim3A_158 = vector.shape_cast %reduce_max3A_157 : vector<32xf32> to vector<32x1xf32>
      %eq3A_159 = vector.broadcast %broadcast_in_dim3A_158 : vector<32x1xf32> to vector<32x8xf32>
      %eq3A_160 = arith.cmpf oeq, %add3A_155, %eq3A_159 : vector<32x8xf32>
      %jit3A = arith.constant 8 : i32
      %broadcast_in_dim3A_161 = vector.broadcast %jit3A : i32 to vector<32x8xi32>
      %select_n3A = arith.select %eq3A_160, %iota3A_156, %broadcast_in_dim3A_161 : vector<32x8xi1>, vector<32x8xi32>
      %reduce_min3A = arith.constant dense<2147483647> : vector<32xi32>
      %reduce_min3A_162 = vector.multi_reduction <minsi>, %select_n3A, %reduce_min3A [1] : vector<32x8xi32> to vector<32xi32>
      %broadcast_in_dim3A_163 = vector.shape_cast %reduce_min3A_162 : vector<32xi32> to vector<32x1xi32>
      %eq3A_164 = vector.broadcast %broadcast_in_dim3A_163 : vector<32x1xi32> to vector<32x8xi32>
      %eq3A_165 = arith.cmpi eq, %iota3A_156, %eq3A_164 : vector<32x8xi32>
      %jit3A_166 = arith.constant 0xFF800000 : f32
      %broadcast_in_dim3A_167 = vector.broadcast %jit3A_166 : f32 to vector<32x8xf32>
      %select_n3A_168 = arith.select %eq3A_165, %broadcast_in_dim3A_167, %add3A_155 : vector<32x8xi1>, vector<32x8xf32>
      %reduce_max3A_169 = arith.constant dense<0xFF800000> : vector<32xf32>
      %reduce_max3A_170 = vector.multi_reduction <maximumf>, %select_n3A_168, %reduce_max3A_169 [1] : vector<32x8xf32> to vector<32xf32>
      %broadcast_in_dim3A_171 = vector.shape_cast %reduce_max3A_170 : vector<32xf32> to vector<32x1xf32>
      %eq3A_172 = vector.broadcast %broadcast_in_dim3A_171 : vector<32x1xf32> to vector<32x8xf32>
      %eq3A_173 = arith.cmpf oeq, %select_n3A_168, %eq3A_172 : vector<32x8xf32>
      %jit3A_174 = arith.constant 8 : i32
      %broadcast_in_dim3A_175 = vector.broadcast %jit3A_174 : i32 to vector<32x8xi32>
      %select_n3A_176 = arith.select %eq3A_173, %iota3A_156, %broadcast_in_dim3A_175 : vector<32x8xi1>, vector<32x8xi32>
      %reduce_min3A_177 = arith.constant dense<2147483647> : vector<32xi32>
      %reduce_min3A_178 = vector.multi_reduction <minsi>, %select_n3A_176, %reduce_min3A_177 [1] : vector<32x8xi32> to vector<32xi32>
      %broadcast_in_dim3A_179 = vector.shape_cast %reduce_min3A_178 : vector<32xi32> to vector<32x1xi32>
      %eq3A_180 = vector.broadcast %broadcast_in_dim3A_163 : vector<32x1xi32> to vector<32x8xi32>
      %eq3A_181 = arith.cmpi eq, %iota3A_156, %eq3A_180 : vector<32x8xi32>
      %eq3A_182 = vector.broadcast %broadcast_in_dim3A_179 : vector<32x1xi32> to vector<32x8xi32>
      %eq3A_183 = arith.cmpi eq, %iota3A_156, %eq3A_182 : vector<32x8xi32>
      %or3A = arith.ori %eq3A_181, %eq3A_183 : vector<32x8xi1>
      %sub3A_184 = vector.broadcast %broadcast_in_dim3A_158 : vector<32x1xf32> to vector<32x8xf32>
      %sub3A_185 = arith.subf %add3A_155, %sub3A_184 : vector<32x8xf32>
      %exp3A = math.exp %sub3A_185 : vector<32x8xf32>
      %jit3A_186 = arith.constant 0.000000e+00 : f32
      %broadcast_in_dim3A_187 = vector.broadcast %jit3A_186 : f32 to vector<32x8xf32>
      %select_n3A_188 = arith.select %or3A, %exp3A, %broadcast_in_dim3A_187 : vector<32x8xi1>, vector<32x8xf32>
      %reduce_sum3A_189 = arith.constant dense<0.000000e+00> : vector<32xf32>
      %reduce_sum3A_190 = vector.multi_reduction <add>, %select_n3A_188, %reduce_sum3A_189 [1] : vector<32x8xf32> to vector<32xf32>
      %broadcast_in_dim3A_191 = vector.shape_cast %reduce_sum3A_190 : vector<32xf32> to vector<32x1xf32>
      %div3A_192 = vector.broadcast %broadcast_in_dim3A_191 : vector<32x1xf32> to vector<32x8xf32>
      %div3A_193 = arith.divf %select_n3A_188, %div3A_192 : vector<32x8xf32>
      %broadcast_in_dim3A_194 = arith.constant 0.000000e+00 : f32
      %broadcast_in_dim3A_195 = vector.broadcast %broadcast_in_dim3A_194 : f32 to vector<32x256xf32>
      %get3A_196 = arith.constant 0 : index
      %get3A_197 = arith.constant 0 : index
      %get3A_198 = arith.constant 0 : index
      %get3A_199 = vector.load %arg18[%get3A_196, %get3A_197, %get3A_198] : memref<8x256x256xf32, #tpu.memory_space<vmem>>, vector<1x256x256xf32>
      %get3A_200 = vector.shape_cast %get3A_199 : vector<1x256x256xf32> to vector<256x256xf32>
      %dot_general3A_201 = arith.constant dense<0.000000e+00> : vector<32x256xf32>
      %dot_general3A_202 = tpu.matmul %mul3A_127, %get3A_200, %dot_general3A_201 {dimension_numbers = #tpu.dot_dimension_numbers<[1], [1], [0], [0], [0, 0, 1, 0], [], []>, transpose_lhs_hint = false} : vector<32x256xf32>, vector<256x256xf32>, vector<32x256xf32> -> vector<32x256xf32>
      %get3A_203 = arith.constant 0 : index
      %get3A_204 = arith.constant 0 : index
      %get3A_205 = vector.load %arg19[%get3A_203, %get3A_204] : memref<8x256xf32, #tpu.memory_space<vmem>>, vector<1x256xf32>
      %add3A_206 = vector.broadcast %get3A_205 : vector<1x256xf32> to vector<32x256xf32>
      %add3A_207 = arith.addf %dot_general3A_202, %add3A_206 : vector<32x256xf32>
      %mul3A_208 = arith.constant 5.000000e-01 : f32
      %mul3A_209 = vector.broadcast %mul3A_208 : f32 to vector<32x256xf32>
      %mul3A_210 = arith.mulf %add3A_207, %mul3A_209 : vector<32x256xf32>
      %div3A_211 = arith.constant 1.41421354 : f32
      %div3A_212 = vector.broadcast %div3A_211 : f32 to vector<32x256xf32>
      %div3A_213 = arith.divf %add3A_207, %div3A_212 : vector<32x256xf32>
      %erf3A_214 = math.erf %div3A_213 : vector<32x256xf32>
      %add3A_215 = arith.constant 1.000000e+00 : f32
      %add3A_216 = vector.broadcast %add3A_215 : f32 to vector<32x256xf32>
      %add3A_217 = arith.addf %add3A_216, %erf3A_214 : vector<32x256xf32>
      %mul3A_218 = arith.mulf %mul3A_210, %add3A_217 : vector<32x256xf32>
      %slice3A_219 = vector.extract_strided_slice %div3A_193 {offsets = [0, 0], sizes = [32, 1], strides = [1, 1]} : vector<32x8xf32> to vector<32x1xf32>
      %mul3A_220 = vector.broadcast %slice3A_219 : vector<32x1xf32> to vector<32x256xf32>
      %mul3A_221 = arith.mulf %mul3A_220, %mul3A_218 : vector<32x256xf32>
      %add3A_222 = arith.addf %broadcast_in_dim3A_195, %mul3A_221 : vector<32x256xf32>
      %get3A_223 = arith.constant 1 : index
      %get3A_224 = arith.constant 0 : index
      %get3A_225 = arith.constant 0 : index
      %get3A_226 = vector.load %arg18[%get3A_223, %get3A_224, %get3A_225] : memref<8x256x256xf32, #tpu.memory_space<vmem>>, vector<1x256x256xf32>
      %get3A_227 = vector.shape_cast %get3A_226 : vector<1x256x256xf32> to vector<256x256xf32>
      %dot_general3A_228 = arith.constant dense<0.000000e+00> : vector<32x256xf32>
      %dot_general3A_229 = tpu.matmul %mul3A_127, %get3A_227, %dot_general3A_228 {dimension_numbers = #tpu.dot_dimension_numbers<[1], [1], [0], [0], [0, 0, 1, 0], [], []>, transpose_lhs_hint = false} : vector<32x256xf32>, vector<256x256xf32>, vector<32x256xf32> -> vector<32x256xf32>
      %get3A_230 = arith.constant 1 : index
      %get3A_231 = arith.constant 0 : index
      %get3A_232 = vector.load %arg19[%get3A_230, %get3A_231] : memref<8x256xf32, #tpu.memory_space<vmem>>, vector<1x256xf32>
      %add3A_233 = vector.broadcast %get3A_232 : vector<1x256xf32> to vector<32x256xf32>
      %add3A_234 = arith.addf %dot_general3A_229, %add3A_233 : vector<32x256xf32>
      %mul3A_235 = arith.constant 5.000000e-01 : f32
      %mul3A_236 = vector.broadcast %mul3A_235 : f32 to vector<32x256xf32>
      %mul3A_237 = arith.mulf %add3A_234, %mul3A_236 : vector<32x256xf32>
      %div3A_238 = arith.constant 1.41421354 : f32
      %div3A_239 = vector.broadcast %div3A_238 : f32 to vector<32x256xf32>
      %div3A_240 = arith.divf %add3A_234, %div3A_239 : vector<32x256xf32>
      %erf3A_241 = math.erf %div3A_240 : vector<32x256xf32>
      %add3A_242 = arith.constant 1.000000e+00 : f32
      %add3A_243 = vector.broadcast %add3A_242 : f32 to vector<32x256xf32>
      %add3A_244 = arith.addf %add3A_243, %erf3A_241 : vector<32x256xf32>
      %mul3A_245 = arith.mulf %mul3A_237, %add3A_244 : vector<32x256xf32>
      %slice3A_246 = vector.extract_strided_slice %div3A_193 {offsets = [0, 1], sizes = [32, 1], strides = [1, 1]} : vector<32x8xf32> to vector<32x1xf32>
      %mul3A_247 = vector.broadcast %slice3A_246 : vector<32x1xf32> to vector<32x256xf32>
      %mul3A_248 = arith.mulf %mul3A_247, %mul3A_245 : vector<32x256xf32>
      %add3A_249 = arith.addf %add3A_222, %mul3A_248 : vector<32x256xf32>
      %get3A_250 = arith.constant 2 : index
      %get3A_251 = arith.constant 0 : index
      %get3A_252 = arith.constant 0 : index
      %get3A_253 = vector.load %arg18[%get3A_250, %get3A_251, %get3A_252] : memref<8x256x256xf32, #tpu.memory_space<vmem>>, vector<1x256x256xf32>
      %get3A_254 = vector.shape_cast %get3A_253 : vector<1x256x256xf32> to vector<256x256xf32>
      %dot_general3A_255 = arith.constant dense<0.000000e+00> : vector<32x256xf32>
      %dot_general3A_256 = tpu.matmul %mul3A_127, %get3A_254, %dot_general3A_255 {dimension_numbers = #tpu.dot_dimension_numbers<[1], [1], [0], [0], [0, 0, 1, 0], [], []>, transpose_lhs_hint = false} : vector<32x256xf32>, vector<256x256xf32>, vector<32x256xf32> -> vector<32x256xf32>
      %get3A_257 = arith.constant 2 : index
      %get3A_258 = arith.constant 0 : index
      %get3A_259 = vector.load %arg19[%get3A_257, %get3A_258] : memref<8x256xf32, #tpu.memory_space<vmem>>, vector<1x256xf32>
      %add3A_260 = vector.broadcast %get3A_259 : vector<1x256xf32> to vector<32x256xf32>
      %add3A_261 = arith.addf %dot_general3A_256, %add3A_260 : vector<32x256xf32>
      %mul3A_262 = arith.constant 5.000000e-01 : f32
      %mul3A_263 = vector.broadcast %mul3A_262 : f32 to vector<32x256xf32>
      %mul3A_264 = arith.mulf %add3A_261, %mul3A_263 : vector<32x256xf32>
      %div3A_265 = arith.constant 1.41421354 : f32
      %div3A_266 = vector.broadcast %div3A_265 : f32 to vector<32x256xf32>
      %div3A_267 = arith.divf %add3A_261, %div3A_266 : vector<32x256xf32>
      %erf3A_268 = math.erf %div3A_267 : vector<32x256xf32>
      %add3A_269 = arith.constant 1.000000e+00 : f32
      %add3A_270 = vector.broadcast %add3A_269 : f32 to vector<32x256xf32>
      %add3A_271 = arith.addf %add3A_270, %erf3A_268 : vector<32x256xf32>
      %mul3A_272 = arith.mulf %mul3A_264, %add3A_271 : vector<32x256xf32>
      %slice3A_273 = vector.extract_strided_slice %div3A_193 {offsets = [0, 2], sizes = [32, 1], strides = [1, 1]} : vector<32x8xf32> to vector<32x1xf32>
      %mul3A_274 = vector.broadcast %slice3A_273 : vector<32x1xf32> to vector<32x256xf32>
      %mul3A_275 = arith.mulf %mul3A_274, %mul3A_272 : vector<32x256xf32>
      %add3A_276 = arith.addf %add3A_249, %mul3A_275 : vector<32x256xf32>
      %get3A_277 = arith.constant 3 : index
      %get3A_278 = arith.constant 0 : index
      %get3A_279 = arith.constant 0 : index
      %get3A_280 = vector.load %arg18[%get3A_277, %get3A_278, %get3A_279] : memref<8x256x256xf32, #tpu.memory_space<vmem>>, vector<1x256x256xf32>
      %get3A_281 = vector.shape_cast %get3A_280 : vector<1x256x256xf32> to vector<256x256xf32>
      %dot_general3A_282 = arith.constant dense<0.000000e+00> : vector<32x256xf32>
      %dot_general3A_283 = tpu.matmul %mul3A_127, %get3A_281, %dot_general3A_282 {dimension_numbers = #tpu.dot_dimension_numbers<[1], [1], [0], [0], [0, 0, 1, 0], [], []>, transpose_lhs_hint = false} : vector<32x256xf32>, vector<256x256xf32>, vector<32x256xf32> -> vector<32x256xf32>
      %get3A_284 = arith.constant 3 : index
      %get3A_285 = arith.constant 0 : index
      %get3A_286 = vector.load %arg19[%get3A_284, %get3A_285] : memref<8x256xf32, #tpu.memory_space<vmem>>, vector<1x256xf32>
      %add3A_287 = vector.broadcast %get3A_286 : vector<1x256xf32> to vector<32x256xf32>
      %add3A_288 = arith.addf %dot_general3A_283, %add3A_287 : vector<32x256xf32>
      %mul3A_289 = arith.constant 5.000000e-01 : f32
      %mul3A_290 = vector.broadcast %mul3A_289 : f32 to vector<32x256xf32>
      %mul3A_291 = arith.mulf %add3A_288, %mul3A_290 : vector<32x256xf32>
      %div3A_292 = arith.constant 1.41421354 : f32
      %div3A_293 = vector.broadcast %div3A_292 : f32 to vector<32x256xf32>
      %div3A_294 = arith.divf %add3A_288, %div3A_293 : vector<32x256xf32>
      %erf3A_295 = math.erf %div3A_294 : vector<32x256xf32>
      %add3A_296 = arith.constant 1.000000e+00 : f32
      %add3A_297 = vector.broadcast %add3A_296 : f32 to vector<32x256xf32>
      %add3A_298 = arith.addf %add3A_297, %erf3A_295 : vector<32x256xf32>
      %mul3A_299 = arith.mulf %mul3A_291, %add3A_298 : vector<32x256xf32>
      %slice3A_300 = vector.extract_strided_slice %div3A_193 {offsets = [0, 3], sizes = [32, 1], strides = [1, 1]} : vector<32x8xf32> to vector<32x1xf32>
      %mul3A_301 = vector.broadcast %slice3A_300 : vector<32x1xf32> to vector<32x256xf32>
      %mul3A_302 = arith.mulf %mul3A_301, %mul3A_299 : vector<32x256xf32>
      %add3A_303 = arith.addf %add3A_276, %mul3A_302 : vector<32x256xf32>
      %get3A_304 = arith.constant 4 : index
      %get3A_305 = arith.constant 0 : index
      %get3A_306 = arith.constant 0 : index
      %get3A_307 = vector.load %arg18[%get3A_304, %get3A_305, %get3A_306] : memref<8x256x256xf32, #tpu.memory_space<vmem>>, vector<1x256x256xf32>
      %get3A_308 = vector.shape_cast %get3A_307 : vector<1x256x256xf32> to vector<256x256xf32>
      %dot_general3A_309 = arith.constant dense<0.000000e+00> : vector<32x256xf32>
      %dot_general3A_310 = tpu.matmul %mul3A_127, %get3A_308, %dot_general3A_309 {dimension_numbers = #tpu.dot_dimension_numbers<[1], [1], [0], [0], [0, 0, 1, 0], [], []>, transpose_lhs_hint = false} : vector<32x256xf32>, vector<256x256xf32>, vector<32x256xf32> -> vector<32x256xf32>
      %get3A_311 = arith.constant 4 : index
      %get3A_312 = arith.constant 0 : index
      %get3A_313 = vector.load %arg19[%get3A_311, %get3A_312] : memref<8x256xf32, #tpu.memory_space<vmem>>, vector<1x256xf32>
      %add3A_314 = vector.broadcast %get3A_313 : vector<1x256xf32> to vector<32x256xf32>
      %add3A_315 = arith.addf %dot_general3A_310, %add3A_314 : vector<32x256xf32>
      %mul3A_316 = arith.constant 5.000000e-01 : f32
      %mul3A_317 = vector.broadcast %mul3A_316 : f32 to vector<32x256xf32>
      %mul3A_318 = arith.mulf %add3A_315, %mul3A_317 : vector<32x256xf32>
      %div3A_319 = arith.constant 1.41421354 : f32
      %div3A_320 = vector.broadcast %div3A_319 : f32 to vector<32x256xf32>
      %div3A_321 = arith.divf %add3A_315, %div3A_320 : vector<32x256xf32>
      %erf3A_322 = math.erf %div3A_321 : vector<32x256xf32>
      %add3A_323 = arith.constant 1.000000e+00 : f32
      %add3A_324 = vector.broadcast %add3A_323 : f32 to vector<32x256xf32>
      %add3A_325 = arith.addf %add3A_324, %erf3A_322 : vector<32x256xf32>
      %mul3A_326 = arith.mulf %mul3A_318, %add3A_325 : vector<32x256xf32>
      %slice3A_327 = vector.extract_strided_slice %div3A_193 {offsets = [0, 4], sizes = [32, 1], strides = [1, 1]} : vector<32x8xf32> to vector<32x1xf32>
      %mul3A_328 = vector.broadcast %slice3A_327 : vector<32x1xf32> to vector<32x256xf32>
      %mul3A_329 = arith.mulf %mul3A_328, %mul3A_326 : vector<32x256xf32>
      %add3A_330 = arith.addf %add3A_303, %mul3A_329 : vector<32x256xf32>
      %get3A_331 = arith.constant 5 : index
      %get3A_332 = arith.constant 0 : index
      %get3A_333 = arith.constant 0 : index
      %get3A_334 = vector.load %arg18[%get3A_331, %get3A_332, %get3A_333] : memref<8x256x256xf32, #tpu.memory_space<vmem>>, vector<1x256x256xf32>
      %get3A_335 = vector.shape_cast %get3A_334 : vector<1x256x256xf32> to vector<256x256xf32>
      %dot_general3A_336 = arith.constant dense<0.000000e+00> : vector<32x256xf32>
      %dot_general3A_337 = tpu.matmul %mul3A_127, %get3A_335, %dot_general3A_336 {dimension_numbers = #tpu.dot_dimension_numbers<[1], [1], [0], [0], [0, 0, 1, 0], [], []>, transpose_lhs_hint = false} : vector<32x256xf32>, vector<256x256xf32>, vector<32x256xf32> -> vector<32x256xf32>
      %get3A_338 = arith.constant 5 : index
      %get3A_339 = arith.constant 0 : index
      %get3A_340 = vector.load %arg19[%get3A_338, %get3A_339] : memref<8x256xf32, #tpu.memory_space<vmem>>, vector<1x256xf32>
      %add3A_341 = vector.broadcast %get3A_340 : vector<1x256xf32> to vector<32x256xf32>
      %add3A_342 = arith.addf %dot_general3A_337, %add3A_341 : vector<32x256xf32>
      %mul3A_343 = arith.constant 5.000000e-01 : f32
      %mul3A_344 = vector.broadcast %mul3A_343 : f32 to vector<32x256xf32>
      %mul3A_345 = arith.mulf %add3A_342, %mul3A_344 : vector<32x256xf32>
      %div3A_346 = arith.constant 1.41421354 : f32
      %div3A_347 = vector.broadcast %div3A_346 : f32 to vector<32x256xf32>
      %div3A_348 = arith.divf %add3A_342, %div3A_347 : vector<32x256xf32>
      %erf3A_349 = math.erf %div3A_348 : vector<32x256xf32>
      %add3A_350 = arith.constant 1.000000e+00 : f32
      %add3A_351 = vector.broadcast %add3A_350 : f32 to vector<32x256xf32>
      %add3A_352 = arith.addf %add3A_351, %erf3A_349 : vector<32x256xf32>
      %mul3A_353 = arith.mulf %mul3A_345, %add3A_352 : vector<32x256xf32>
      %slice3A_354 = vector.extract_strided_slice %div3A_193 {offsets = [0, 5], sizes = [32, 1], strides = [1, 1]} : vector<32x8xf32> to vector<32x1xf32>
      %mul3A_355 = vector.broadcast %slice3A_354 : vector<32x1xf32> to vector<32x256xf32>
      %mul3A_356 = arith.mulf %mul3A_355, %mul3A_353 : vector<32x256xf32>
      %add3A_357 = arith.addf %add3A_330, %mul3A_356 : vector<32x256xf32>
      %get3A_358 = arith.constant 6 : index
      %get3A_359 = arith.constant 0 : index
      %get3A_360 = arith.constant 0 : index
      %get3A_361 = vector.load %arg18[%get3A_358, %get3A_359, %get3A_360] : memref<8x256x256xf32, #tpu.memory_space<vmem>>, vector<1x256x256xf32>
      %get3A_362 = vector.shape_cast %get3A_361 : vector<1x256x256xf32> to vector<256x256xf32>
      %dot_general3A_363 = arith.constant dense<0.000000e+00> : vector<32x256xf32>
      %dot_general3A_364 = tpu.matmul %mul3A_127, %get3A_362, %dot_general3A_363 {dimension_numbers = #tpu.dot_dimension_numbers<[1], [1], [0], [0], [0, 0, 1, 0], [], []>, transpose_lhs_hint = false} : vector<32x256xf32>, vector<256x256xf32>, vector<32x256xf32> -> vector<32x256xf32>
      %get3A_365 = arith.constant 6 : index
      %get3A_366 = arith.constant 0 : index
      %get3A_367 = vector.load %arg19[%get3A_365, %get3A_366] : memref<8x256xf32, #tpu.memory_space<vmem>>, vector<1x256xf32>
      %add3A_368 = vector.broadcast %get3A_367 : vector<1x256xf32> to vector<32x256xf32>
      %add3A_369 = arith.addf %dot_general3A_364, %add3A_368 : vector<32x256xf32>
      %mul3A_370 = arith.constant 5.000000e-01 : f32
      %mul3A_371 = vector.broadcast %mul3A_370 : f32 to vector<32x256xf32>
      %mul3A_372 = arith.mulf %add3A_369, %mul3A_371 : vector<32x256xf32>
      %div3A_373 = arith.constant 1.41421354 : f32
      %div3A_374 = vector.broadcast %div3A_373 : f32 to vector<32x256xf32>
      %div3A_375 = arith.divf %add3A_369, %div3A_374 : vector<32x256xf32>
      %erf3A_376 = math.erf %div3A_375 : vector<32x256xf32>
      %add3A_377 = arith.constant 1.000000e+00 : f32
      %add3A_378 = vector.broadcast %add3A_377 : f32 to vector<32x256xf32>
      %add3A_379 = arith.addf %add3A_378, %erf3A_376 : vector<32x256xf32>
      %mul3A_380 = arith.mulf %mul3A_372, %add3A_379 : vector<32x256xf32>
      %slice3A_381 = vector.extract_strided_slice %div3A_193 {offsets = [0, 6], sizes = [32, 1], strides = [1, 1]} : vector<32x8xf32> to vector<32x1xf32>
      %mul3A_382 = vector.broadcast %slice3A_381 : vector<32x1xf32> to vector<32x256xf32>
      %mul3A_383 = arith.mulf %mul3A_382, %mul3A_380 : vector<32x256xf32>
      %add3A_384 = arith.addf %add3A_357, %mul3A_383 : vector<32x256xf32>
      %get3A_385 = arith.constant 7 : index
      %get3A_386 = arith.constant 0 : index
      %get3A_387 = arith.constant 0 : index
      %get3A_388 = vector.load %arg18[%get3A_385, %get3A_386, %get3A_387] : memref<8x256x256xf32, #tpu.memory_space<vmem>>, vector<1x256x256xf32>
      %get3A_389 = vector.shape_cast %get3A_388 : vector<1x256x256xf32> to vector<256x256xf32>
      %dot_general3A_390 = arith.constant dense<0.000000e+00> : vector<32x256xf32>
      %dot_general3A_391 = tpu.matmul %mul3A_127, %get3A_389, %dot_general3A_390 {dimension_numbers = #tpu.dot_dimension_numbers<[1], [1], [0], [0], [0, 0, 1, 0], [], []>, transpose_lhs_hint = false} : vector<32x256xf32>, vector<256x256xf32>, vector<32x256xf32> -> vector<32x256xf32>
      %get3A_392 = arith.constant 7 : index
      %get3A_393 = arith.constant 0 : index
      %get3A_394 = vector.load %arg19[%get3A_392, %get3A_393] : memref<8x256xf32, #tpu.memory_space<vmem>>, vector<1x256xf32>
      %add3A_395 = vector.broadcast %get3A_394 : vector<1x256xf32> to vector<32x256xf32>
      %add3A_396 = arith.addf %dot_general3A_391, %add3A_395 : vector<32x256xf32>
      %mul3A_397 = arith.constant 5.000000e-01 : f32
      %mul3A_398 = vector.broadcast %mul3A_397 : f32 to vector<32x256xf32>
      %mul3A_399 = arith.mulf %add3A_396, %mul3A_398 : vector<32x256xf32>
      %div3A_400 = arith.constant 1.41421354 : f32
      %div3A_401 = vector.broadcast %div3A_400 : f32 to vector<32x256xf32>
      %div3A_402 = arith.divf %add3A_396, %div3A_401 : vector<32x256xf32>
      %erf3A_403 = math.erf %div3A_402 : vector<32x256xf32>
      %add3A_404 = arith.constant 1.000000e+00 : f32
      %add3A_405 = vector.broadcast %add3A_404 : f32 to vector<32x256xf32>
      %add3A_406 = arith.addf %add3A_405, %erf3A_403 : vector<32x256xf32>
      %mul3A_407 = arith.mulf %mul3A_399, %add3A_406 : vector<32x256xf32>
      %slice3A_408 = vector.extract_strided_slice %div3A_193 {offsets = [0, 7], sizes = [32, 1], strides = [1, 1]} : vector<32x8xf32> to vector<32x1xf32>
      %mul3A_409 = vector.broadcast %slice3A_408 : vector<32x1xf32> to vector<32x256xf32>
      %mul3A_410 = arith.mulf %mul3A_409, %mul3A_407 : vector<32x256xf32>
      %add3A_411 = arith.addf %add3A_384, %mul3A_410 : vector<32x256xf32>
      %get3A_412 = arith.constant 0 : index
      %get3A_413 = arith.constant 0 : index
      %get3A_414 = vector.load %arg20[%get3A_412, %get3A_413] : memref<256x256xf32, #tpu.memory_space<vmem>>, vector<256x256xf32>
      %dot_general3A_415 = arith.constant dense<0.000000e+00> : vector<32x256xf32>
      %dot_general3A_416 = tpu.matmul %mul3A_127, %get3A_414, %dot_general3A_415 {dimension_numbers = #tpu.dot_dimension_numbers<[1], [1], [0], [0], [0, 0, 1, 0], [], []>, transpose_lhs_hint = false} : vector<32x256xf32>, vector<256x256xf32>, vector<32x256xf32> -> vector<32x256xf32>
      %get3A_417 = arith.constant 0 : index
      %get3A_418 = arith.constant 0 : index
      %get3A_419 = vector.load %arg21[%get3A_417, %get3A_418] : memref<1x256xf32, #tpu.memory_space<vmem>>, vector<1x256xf32>
      %add3A_420 = vector.broadcast %get3A_419 : vector<1x256xf32> to vector<32x256xf32>
      %add3A_421 = arith.addf %dot_general3A_416, %add3A_420 : vector<32x256xf32>
      %mul3A_422 = arith.constant 5.000000e-01 : f32
      %mul3A_423 = vector.broadcast %mul3A_422 : f32 to vector<32x256xf32>
      %mul3A_424 = arith.mulf %add3A_421, %mul3A_423 : vector<32x256xf32>
      %div3A_425 = arith.constant 1.41421354 : f32
      %div3A_426 = vector.broadcast %div3A_425 : f32 to vector<32x256xf32>
      %div3A_427 = arith.divf %add3A_421, %div3A_426 : vector<32x256xf32>
      %erf3A_428 = math.erf %div3A_427 : vector<32x256xf32>
      %add3A_429 = arith.constant 1.000000e+00 : f32
      %add3A_430 = vector.broadcast %add3A_429 : f32 to vector<32x256xf32>
      %add3A_431 = arith.addf %add3A_430, %erf3A_428 : vector<32x256xf32>
      %mul3A_432 = arith.mulf %mul3A_424, %add3A_431 : vector<32x256xf32>
      %reduce_max3A_433 = arith.constant dense<0xFF800000> : vector<32xf32>
      %reduce_max3A_434 = vector.multi_reduction <maximumf>, %div3A_193, %reduce_max3A_433 [1] : vector<32x8xf32> to vector<32xf32>
      %broadcast_in_dim3A_435 = vector.shape_cast %reduce_max3A_434 : vector<32xf32> to vector<32x1xf32>
      %sub3A_436 = arith.constant 1.000000e+00 : f32
      %sub3A_437 = vector.broadcast %sub3A_436 : f32 to vector<32x1xf32>
      %sub3A_438 = arith.subf %sub3A_437, %broadcast_in_dim3A_435 : vector<32x1xf32>
      %mul3A_439 = vector.broadcast %sub3A_438 : vector<32x1xf32> to vector<32x256xf32>
      %mul3A_440 = arith.mulf %mul3A_439, %mul3A_432 : vector<32x256xf32>
      %add3A_441 = arith.addf %add3A_411, %mul3A_440 : vector<32x256xf32>
      %get3A_442 = arith.constant 0 : index
      %get3A_443 = arith.constant 0 : index
      %get3A_444 = vector.load %arg22[%get3A_442, %get3A_443] : memref<1x256xf32, #tpu.memory_space<vmem>>, vector<1x256xf32>
      %get3A_445 = arith.constant 0 : index
      %get3A_446 = arith.constant 0 : index
      %get3A_447 = vector.load %arg23[%get3A_445, %get3A_446] : memref<1x256xf32, #tpu.memory_space<vmem>>, vector<1x256xf32>
      %reduce_sum3A_448 = arith.constant dense<0.000000e+00> : vector<32xf32>
      %reduce_sum3A_449 = vector.multi_reduction <add>, %add3A_441, %reduce_sum3A_448 [1] : vector<32x256xf32> to vector<32xf32>
      %broadcast_in_dim3A_450 = vector.shape_cast %reduce_sum3A_449 : vector<32xf32> to vector<32x1xf32>
      %div3A_451 = arith.constant 2.560000e+02 : f32
      %div3A_452 = vector.broadcast %div3A_451 : f32 to vector<32x1xf32>
      %div3A_453 = arith.divf %broadcast_in_dim3A_450, %div3A_452 : vector<32x1xf32>
      %sub3A_454 = vector.broadcast %div3A_453 : vector<32x1xf32> to vector<32x256xf32>
      %sub3A_455 = arith.subf %add3A_441, %sub3A_454 : vector<32x256xf32>
      %integer_pow3A_456 = arith.mulf %sub3A_455, %sub3A_455 : vector<32x256xf32>
      %reduce_sum3A_457 = arith.constant dense<0.000000e+00> : vector<32xf32>
      %reduce_sum3A_458 = vector.multi_reduction <add>, %integer_pow3A_456, %reduce_sum3A_457 [1] : vector<32x256xf32> to vector<32xf32>
      %broadcast_in_dim3A_459 = vector.shape_cast %reduce_sum3A_458 : vector<32xf32> to vector<32x1xf32>
      %div3A_460 = arith.constant 2.560000e+02 : f32
      %div3A_461 = vector.broadcast %div3A_460 : f32 to vector<32x1xf32>
      %div3A_462 = arith.divf %broadcast_in_dim3A_459, %div3A_461 : vector<32x1xf32>
      %sub3A_463 = vector.broadcast %div3A_453 : vector<32x1xf32> to vector<32x256xf32>
      %sub3A_464 = arith.subf %add3A_441, %sub3A_463 : vector<32x256xf32>
      %add3A_465 = arith.constant 9.99999974E-6 : f32
      %add3A_466 = vector.broadcast %add3A_465 : f32 to vector<32x1xf32>
      %add3A_467 = arith.addf %div3A_462, %add3A_466 : vector<32x1xf32>
      %rsqrt3A_468 = math.rsqrt %add3A_467 : vector<32x1xf32>
      %mul3A_469 = vector.broadcast %rsqrt3A_468 : vector<32x1xf32> to vector<32x256xf32>
      %mul3A_470 = arith.mulf %sub3A_464, %mul3A_469 : vector<32x256xf32>
      %mul3A_471 = vector.broadcast %get3A_444 : vector<1x256xf32> to vector<32x256xf32>
      %mul3A_472 = arith.mulf %mul3A_470, %mul3A_471 : vector<32x256xf32>
      %add3A_473 = vector.broadcast %get3A_447 : vector<1x256xf32> to vector<32x256xf32>
      %add3A_474 = arith.addf %mul3A_472, %add3A_473 : vector<32x256xf32>
      %swap3A_475 = arith.constant 0 : index
      %swap3A_476 = arith.constant 0 : index
      %swap3A_477 = vector.load %arg24[%swap3A_475, %swap3A_476] : memref<32x256xf32, #tpu.memory_space<vmem>>, vector<32x256xf32>
      tpu.vector_store %arg24[%swap3A_475, %swap3A_476], %add3A_474 {strides = array<i32>} : memref<32x256xf32, #tpu.memory_space<vmem>>, vector<32x256xf32>,
    } else {
    }
    return
  }
  func.func @transform_0(%arg0: i32) -> (i32, i32) {
    %c0_i32 = arith.constant 0 : i32
    %c0_i32_0 = arith.constant 0 : i32
    %c0_i32_1 = arith.constant 0 : i32
    return %c0_i32, %c0_i32_0 : i32, i32
  }
  func.func @transform_1(%arg0: i32) -> (i32, i32) {
    %c0_i32 = arith.constant 0 : i32
    %c0_i32_0 = arith.constant 0 : i32
    %c0_i32_1 = arith.constant 0 : i32
    return %c0_i32, %c0_i32_0 : i32, i32
  }
  func.func @transform_2(%arg0: i32) -> (i32, i32) {
    %c0_i32 = arith.constant 0 : i32
    %c0_i32_0 = arith.constant 0 : i32
    %c0_i32_1 = arith.constant 0 : i32
    return %c0_i32, %c0_i32_0 : i32, i32
  }
  func.func @transform_3(%arg0: i32) -> (i32, i32) {
    %c0_i32 = arith.constant 0 : i32
    %c0_i32_0 = arith.constant 0 : i32
    %c0_i32_1 = arith.constant 0 : i32
    return %c0_i32, %c0_i32_0 : i32, i32
  }
  func.func @transform_4(%arg0: i32) -> (i32, i32) {
    %c0_i32 = arith.constant 0 : i32
    %c0_i32_0 = arith.constant 0 : i32
    %c0_i32_1 = arith.constant 0 : i32
    return %c0_i32, %c0_i32_0 : i32, i32
  }
  func.func @transform_5(%arg0: i32) -> (i32, i32) {
    %c0_i32 = arith.constant 0 : i32
    %c0_i32_0 = arith.constant 0 : i32
    %c0_i32_1 = arith.constant 0 : i32
    return %c0_i32, %c0_i32_0 : i32, i32
  }
  func.func @transform_6(%arg0: i32) -> (i32, i32) {
    %c0_i32 = arith.constant 0 : i32
    %c0_i32_0 = arith.constant 0 : i32
    return %c0_i32, %arg0 : i32, i32
  }
  func.func @transform_7(%arg0: i32) -> (i32, i32) {
    %c0_i32 = arith.constant 0 : i32
    %c0_i32_0 = arith.constant 0 : i32
    return %c0_i32, %arg0 : i32, i32
  }
  func.func @transform_8(%arg0: i32) -> (i32, i32) {
    %c0_i32 = arith.constant 0 : i32
    %c0_i32_0 = arith.constant 0 : i32
    return %c0_i32, %arg0 : i32, i32
  }
  func.func @transform_9(%arg0: i32) -> (i32, i32) {
    %c0_i32 = arith.constant 0 : i32
    %c0_i32_0 = arith.constant 0 : i32
    %c0_i32_1 = arith.constant 0 : i32
    return %c0_i32, %c0_i32_0 : i32, i32
  }
  func.func @transform_10(%arg0: i32) -> (i32, i32) {
    %c0_i32 = arith.constant 0 : i32
    %c0_i32_0 = arith.constant 0 : i32
    %c0_i32_1 = arith.constant 0 : i32
    return %c0_i32, %c0_i32_0 : i32, i32
  }
  func.func @transform_11(%arg0: i32) -> (i32, i32) {
    %c0_i32 = arith.constant 0 : i32
    %c0_i32_0 = arith.constant 0 : i32
    %c0_i32_1 = arith.constant 0 : i32
    return %c0_i32, %c0_i32_0 : i32, i32
  }
  func.func @transform_12(%arg0: i32) -> (i32, i32) {
    %c0_i32 = arith.constant 0 : i32
    %c0_i32_0 = arith.constant 0 : i32
    %c0_i32_1 = arith.constant 0 : i32
    return %c0_i32, %c0_i32_0 : i32, i32
  }
  func.func @transform_13(%arg0: i32) -> (i32, i32) {
    %c0_i32 = arith.constant 0 : i32
    %c0_i32_0 = arith.constant 0 : i32
    %c0_i32_1 = arith.constant 0 : i32
    return %c0_i32, %c0_i32_0 : i32, i32
  }
  func.func @transform_14(%arg0: i32) -> (i32, i32) {
    %c0_i32 = arith.constant 0 : i32
    %c0_i32_0 = arith.constant 0 : i32
    %c0_i32_1 = arith.constant 0 : i32
    return %c0_i32, %c0_i32_0 : i32, i32
  }
  func.func @transform_15(%arg0: i32) -> (i32, i32) {
    %c0_i32 = arith.constant 0 : i32
    %c0_i32_0 = arith.constant 0 : i32
    %c0_i32_1 = arith.constant 0 : i32
    return %c0_i32, %c0_i32_0 : i32, i32
  }
  func.func @transform_16(%arg0: i32) -> (i32, i32) {
    %c0_i32 = arith.constant 0 : i32
    %c0_i32_0 = arith.constant 0 : i32
    %c0_i32_1 = arith.constant 0 : i32
    return %c0_i32, %c0_i32_0 : i32, i32
  }
  func.func @transform_17(%arg0: i32) -> (i32, i32, i32) {
    %c0_i32 = arith.constant 0 : i32
    %c0_i32_0 = arith.constant 0 : i32
    %c0_i32_1 = arith.constant 0 : i32
    %c0_i32_2 = arith.constant 0 : i32
    return %c0_i32, %c0_i32_0, %c0_i32_1 : i32, i32, i32
  }
  func.func @transform_18(%arg0: i32) -> (i32, i32) {
    %c0_i32 = arith.constant 0 : i32
    %c0_i32_0 = arith.constant 0 : i32
    %c0_i32_1 = arith.constant 0 : i32
    return %c0_i32, %c0_i32_0 : i32, i32
  }
  func.func @transform_19(%arg0: i32) -> (i32, i32) {
    %c0_i32 = arith.constant 0 : i32
    %c0_i32_0 = arith.constant 0 : i32
    %c0_i32_1 = arith.constant 0 : i32
    return %c0_i32, %c0_i32_0 : i32, i32
  }
  func.func @transform_20(%arg0: i32) -> (i32, i32) {
    %c0_i32 = arith.constant 0 : i32
    %c0_i32_0 = arith.constant 0 : i32
    %c0_i32_1 = arith.constant 0 : i32
    return %c0_i32, %c0_i32_0 : i32, i32
  }
  func.func @transform_21(%arg0: i32) -> (i32, i32) {
    %c0_i32 = arith.constant 0 : i32
    %c0_i32_0 = arith.constant 0 : i32
    %c0_i32_1 = arith.constant 0 : i32
    return %c0_i32, %c0_i32_0 : i32, i32
  }
  func.func @transform_22(%arg0: i32) -> (i32, i32) {
    %c0_i32 = arith.constant 0 : i32
    %c0_i32_0 = arith.constant 0 : i32
    %c0_i32_1 = arith.constant 0 : i32
    return %c0_i32, %c0_i32_0 : i32, i32
  }
  func.func @transform_23(%arg0: i32) -> (i32, i32) {
    %c0_i32 = arith.constant 0 : i32
    %c0_i32_0 = arith.constant 0 : i32
    %c0_i32_1 = arith.constant 0 : i32
    return %c0_i32, %c0_i32_0 : i32, i32
  }
}

</mosaic_0001>

<sc_bundles>
// kernel: sparse-core-data-format-call.cloned.1.call-start
scs
called_computation_lowered:
.L_overlay_start_0:
0x0: {  	s2 =	sld [smem:$0x3FD9]  }
0x1: {  	s3 =	sld [smem:$0x3FFE];
	_ =	sdelay $0x1  }
0x2: {  	s1 =	srdreg.scid  }
0x3: {  	s0 =	sand.u32 $0x1, s1  }
0x4: {  	s18 =	sshll.u32 s0, $0xA;
	s2 =	sadd.s32 s3, s2  }
0x5: {  	s2 =	sadd.s32 s2, s18  }
0x6: {  	[smem:$0x3FB2] =	sst s2  }
0x7: {  	_ = 	snop  }
0x8: {  	s2 =	sld [smem:$0x3FC1];
	(tm) =	ssettm $0x1  }
0x9: {  	s19 =	sld [smem:$0x3FFB];
	_ =	sdelay $0x3  }
0xa: {  	_ =	strace s19  }
0xb: {  	s3 =	sld [smem:$0x3FFC];
	_ =	sdelay $0x3  }
0xc: {  	_ =	strace s3  }
0xd: {  	s3 =	sld [smem:$0x3FFD];
	_ =	sdelay $0x3  }
0xe: {  	_ =	strace s3  }
0xf: {  	_ =	strace $0x8FFFFFFF  }
0x10: {  	s20 =	sld [smem:$0x3FDB];
	_ =	sdelay $0x1  }
0x11: {  	s4 =	simm.s32 $_scs_section_size  }
0x12: {  	s5 =	simm.s32 $_size__tile_overlayer_lowered;
	s6 =	simm.s32 $_tile_overlayer_lowered  }
0x13: {  	s23 =	simm.s32 $0x1BFF;
	s22 =	sshll.u32 s6, $0x1;
	s3 =	sadd.s32 s4, s20  }
0x14: {  	s7 =	simm.s32 $0x0;
	s21 =	sshll.u32 s5, $0x1;
	s5 =	sadd.s32 s22, s3  }
0x15: {  	[timem:s7], [sflag:s23] =	dma.local [hbm:s5], s21  }
0x16: {  	_ =	swait.ge [sflag:s23], s21  }
0x17: {  	s4 =	ssub.s32 $0x0, s21;
	[sflag:s23] =	ssyncset.done $0x0  }
0x18: {  	[sflag:s23] =	ssyncadd.s32 s4;
	_ =	sdelay $0x1  }
0x19: {  	s24 =	simm.s32 $0x1B8B  }
0x1a: {  	_ =	swait.ge [sflag:s24], $0x1  }
0x1b: {  	[sflag:s24] =	ssyncset.done $0x0  }
0x1c: {  	s26 =	simm.s32 $0x1B8E;
	s25 =	sld [smem:$0x3FFE];
	[sflag:s24] =	ssyncadd.s32 $0xFFFFFFFF  }
0x1d: {  	s27 =	simm.s32 $execute0_lowered;
	[smem:$0x3FD2] =	sst s26  }
0x1e: {  	s5 =	sshll.u32 s27, $0x1;
	_ =	strace $0x80000046;
	[dreg:$0x1] =	wrdreg $0xFFFFFFFF  }
0x1f: {  	s28 =	simm.s32 $_size_execute0_lowered;
	s3 =	sadd.s32 s3, s5;
	[dreg:$0x0] =	wrdreg $0x0  }
0x20: {  	s5 =	sshll.u32 s28, $0x1;
	[dreg:$0x2] =	wrdreg s3  }
0x21: {  	[dreg:$0x3] =	wrdreg s5  }
0x22: {  	[dreg:$0x4] =	wrdreg $0xC0  }
0x23: {  	_ =	task [dreg:s7], $0x5FFFF  }
0x24: {  	[dreg:$0x1] =	wrdreg $0xFFFFFFFF  }
0x25: {  	[dreg:$0x0] =	wrdreg $0x60  }
0x26: {  	[dreg:$0x2] =	wrdreg s2  }
0x27: {  	[dreg:$0x3] =	wrdreg s25  }
0x28: {  	[dreg:$0x4] =	wrdreg $0x9  }
0x29: {  	_ =	task.clear_ibuf [dreg:s7], $0x5FFFF;
	_ =	strace $0x90000046  }
0x2a: {  	s29 =	simm.s32 $0x9;
	_ =	strace $0x80000048  }
0x2b: {  	_ =	swait.ge [sflag:s29], $0x1  }
0x2c: {  	[sflag:s29] =	ssyncadd.s32 $0xFFFFFFFF  }
0x2d: {  	_ =	strace $0x90000048  }
0x2e: {  	_ =	sfence  }
0x2f: {  	s30 =	sld [smem:$0x0];
	_ =	sdelay $0x2  }
0x30: {  	s31 =	sshll.u32 s1, $0xD;
	s1 =	sshrl.u32 s1, $0x2  }
0x31: {  	s3 =	sand.u32 $0x4000, s31;
	s1 =	sadd.s32 s1, s30  }
0x32: {  	s0 =	sor.u32 s3, s0;
	s1 =	sshll.u32 s1, $0x11  }
0x33: {  	s0 =	sor.u32 s1, s0  }
0x34: {  	s0 =	sadd.s32 $0x8F2B, s0  }
0x35: {  	[sflag:s0] =	ssyncadd.remote.s32 $0x1  }
0x36: {  	_ =	sfence.sel $0xFFFF  }
0x37: {  	[dreg:$0x0] =	wrdreg $0xFFFFFFFF;
	(pc) =	sbr.abs _section_cstart, $3  }
0x38: {  	[dreg:$0x1] =	wrdreg $0xFFFFFFFF  }
0x39: {  	_ =	task.clear_ibuf [dreg:s7], $0x2FFFF;
	_ =	strace $0x9FFFFFFF  }
0x3a: {  	(tm) =	ssettm $0x7FFFFFFF  }
0x3b: {  	_ =	shalt  }
tec
execute0_lowered:
.L_overlay_start_1:
0x0: {  	(tag) =	ssettag $0x1  }
0x1: {  	s2 =	rddreg [dreg:$0x0]  }
0x2: {  	s4 =	rddreg [dreg:$0x1]  }
0x3: {  	s0 =	rddreg [dreg:$0x2];
	_ =	strace $0x80000047  }
0x4: {  	s3 =	srdreg.scid;
	s1 =	stileid.u32;
	s6 =	simm.s32 $0x2  }
0x5: {  	s12 =	simm.s32 $0x0;
	p0 =	por $0x0, $0x0;
	s7 =	simm.s32 $0x400  }
.Ltmp0:
0x6: {  	s13 =	simm.s32 $0x0;
	s14 =	simm.s32 $0x0;
	(pc) =	sbr.rel .LBB1_1-.Ltmp0, $4  }
0x7: {  	s9 =	simm.s32 $0x0;
	s10 =	simm.s32 $0x0;
	s5 =	sshll.u32 s3, $0x4  }
0x8: {  	s8 =	simm.s32 $0x0;
	s3 =	simm.s32 $0x1;
	s5 =	sand.u32 $0x10, s5  }
0x9: {  	s4 =	sadd.s32 $0x3800, s4;
	[sflag:s3] =	ssyncpa.u1 $0x0;
	s5 =	sor.u32 s1, s5  }
0xa: {  	[sflag:s6] =	ssyncpa.u1 $0x0;
	s6 =	simm.s32 $0x80;
	s11 =	smov.u32 s5  }
.LBB1_5:
0xb: {  	s15 =	sadd.s32 $0x80, s9  }
0xc: {  	s12 =	simm.s32 $0x1;
	p2 =	sgt.s32 s15, $0xFF  }
0xd: {  	s12 =	simm.s32 @!p2 $0x0  }
0xe: {  	s16 =	sadd.s32 s12, s10  }
0xf: {  	s18 =	smov.u32 s11;
	s12 =	sadd.s32 $0x20, s11;
	p3 =	sgt.s32 s16, $0x7  }
0x10: {  	p1 =	slt.u32 s8, $0x2;
	s18 =	smov.u32 @p3 s12  }
0x11: {  	s8 =	sadd.s32 $0x1, s8;
	s15 =	simm.s32 @p2 $0x0;
	p2 =	sgt.s32 s18, $0x1F  }
0x12: {  	s18 =	smov.u32 @p2 s5;
	p2 =	sne.s32 s8, $0x12  }
.Ltmp1:
0x13: {  	s17 =	simm.s32 @!p1 $0x2;
	(pc) =	sbr.rel @!p2 .LBB1_6-.Ltmp1, $4  }
0x14: {  	s13 =	smov.u32 s10;
	_ =	swait.ge @!p1 [sflag:s17], $0x4000  }
0x15: {  	s14 =	smov.u32 s11;
	p0 =	por !p0, !p0;
	[sflag:s17] =	ssyncset.done @!p1 $0x0  }
0x16: {  	[sflag:s17] =	ssyncadd.s32 @!p1 $0xFFFFC000;
	s16 =	simm.s32 @p3 $0x0;
	s12 =	smov.u32 s9  }
0x17: {  	s9 =	smov.u32 s15;
	s10 =	smov.u32 s16;
	s11 =	smov.u32 s18  }
.LBB1_1:
0x18: {  	p1 =	sgt.u32 s8, $0xF  }
0x19: {  	s15 =	sxor.u32 @!p1 $0xFFFFFFFF, s8;
	s16 =	sshll.u32 @!p1 s11, $0xF  }
0x1a: {  	s17 =	sshll.u32 @!p1 s10, $0xC;
	s18 =	sshll.u32 @!p1 s9, $0x4;
	s16 =	sadd.s32 @!p1 s2, s16  }
0x1b: {  	s15 =	sshll.u32 @!p1 s15, $0xE;
	s18 =	sand.u32 @!p1 $0xFF0, s18;
	s16 =	sadd.s32 @!p1 s17, s16  }
0x1c: {  	s15 =	sand.u32 @!p1 $0x4000, s15;
	s17 =	simm.s32 @!p1 $0x0;
	s16 =	sadd.s32 @!p1 s18, s16  }
0x1d: {  	[tilespmem:s15], [sflag:$0x1] =	stream.linear.gather @!p1 [hbm4b:s16+s17], $0x4000, $0x38;
	[tilespmem:$0x10000] =	vst v63  }
0x1e: {  	p1 =	seq.s32 s8, $0x0  }
0x1f: {  	p2 =	seq.s32 @!p1 s8, $0x11  }
0x20: {  	p1 =	por p1, p2  }
.Ltmp2:
0x21: {  	_ = 	snop;
	(pc) =	sbr.rel @p1 .LBB1_5-.Ltmp2, $1  }
0x22: {  	_ =	sdelay $0x3  }
0x23: {  	s15 =	simm.s32 $0x1  }
0x24: {  	s15 =	simm.s32 @!p0 $0x0  }
0x25: {  	s15 =	sshll.u32 s15, $0xE  }
0x26: {  	s16 =	sor.u32 $0x40, s15  }
0x27: {  	v1 =	vmov s16;
	_ =	sdelay $0x1  }
0x28: {  	_ =	swait.ge [sflag:s3], $0x4000  }
0x29: {  	[sflag:s3] =	ssyncset.done $0x0  }
0x2a: {  	[sflag:s3] =	ssyncadd.s32 $0xFFFFC000;
	s16 =	simm.s32 $0x0  }
0x2b: {  	s15 =	sor.u32 $0x8070, s15;
	v7 =	vld.idx.msk [tilespmem:v1+s16+$0x30 ss:$0x1], $0xffff  }
0x2c: {  	v0 =	vmov s15;
	v8 =	vld.idx.msk [tilespmem:v1+s16+$0xFFFFFFC0 ss:$0x1], $0xffff  }
0x2d: {  	v6 =	vld.idx.msk [tilespmem:v1+s16+$0xFFFFFFD0 ss:$0x1], $0xffff  }
0x2e: {  	v4 =	vld.idx.msk [tilespmem:v1+s16+$0xFFFFFFE0 ss:$0x1], $0xffff  }
0x2f: {  	v2 =	vld.idx.msk [tilespmem:v1+s16+$0xFFFFFFF0 ss:$0x1], $0xffff  }
0x30: {  	s31 =	sshll.u32 s8, $0xE;
	v3 =	vld.idx.msk [tilespmem:v1+s16+$0x0 ss:$0x1], $0xffff  }
0x31: {  	s15 =	sand.u32 $0x4000, s31;
	v5 =	vld.idx.msk [tilespmem:v1+s16+$0x10 ss:$0x1], $0xffff;
	[tilespmem:v0+s16+$0x0 ss:$0x1] =	vst.idx.msk $0xffff, v7  }
0x32: {  	s17 =	simm.s32 $0x80;
	s18 =	simm.s32 $0x400;
	s15 =	sor.u32 $0x8000, s15;
	[tilespmem:v0+s16+$0xFFFFFF90 ss:$0x1] =	vst.idx.msk $0xffff, v8;
	v7 =	vld.idx.msk [tilespmem:v1+s16+$0x20 ss:$0x1], $0xffff  }
.LBB1_3:
0x33: {  	p1 =	sne.s32 s18, $0xFE00;
	v8 =	vld.idx.msk [tilespmem:v1+s17+$0x30 ss:$0x1], $0xffff;
	[tilespmem:v0+s16+$0xFFFFFFA0 ss:$0x1] =	vst.idx.msk $0xffff, v6  }
0x34: {  	v9 =	vld.idx.msk [tilespmem:v1+s17+$0xFFFFFFC0 ss:$0x1], $0xffff;
	[tilespmem:v0+s16+$0xFFFFFFB0 ss:$0x1] =	vst.idx.msk $0xffff, v4  }
0x35: {  	v6 =	vld.idx.msk [tilespmem:v1+s17+$0xFFFFFFD0 ss:$0x1], $0xffff;
	[tilespmem:v0+s16+$0xFFFFFFC0 ss:$0x1] =	vst.idx.msk $0xffff, v2  }
.Ltmp3:
0x36: {  	v4 =	vld.idx.msk [tilespmem:v1+s17+$0xFFFFFFE0 ss:$0x1], $0xffff;
	[tilespmem:v0+s16+$0xFFFFFFD0 ss:$0x1] =	vst.idx.msk $0xffff, v3;
	(pc) =	sbr.rel @p1 .LBB1_3-.Ltmp3, $4  }
0x37: {  	v2 =	vld.idx.msk [tilespmem:v1+s17+$0xFFFFFFF0 ss:$0x1], $0xffff;
	[tilespmem:v0+s16+$0xFFFFFFE0 ss:$0x1] =	vst.idx.msk $0xffff, v5  }
0x38: {  	v3 =	vld.idx.msk [tilespmem:v1+s17+$0x0 ss:$0x1], $0xffff;
	[tilespmem:v0+s16+$0xFFFFFFF0 ss:$0x1] =	vst.idx.msk $0xffff, v7;
	s16 =	smov.u32 s17  }
0x39: {  	v5 =	vld.idx.msk [tilespmem:v1+s16+$0x10 ss:$0x1], $0xffff;
	[tilespmem:v0+s16+$0x0 ss:$0x1] =	vst.idx.msk $0xffff, v8  }
0x3a: {  	s17 =	sshra.s32 s18, $0x2;
	s18 =	sadd.s32 $0x200, s18;
	[tilespmem:v0+s16+$0xFFFFFF90 ss:$0x1] =	vst.idx.msk $0xffff, v9;
	v7 =	vld.idx.msk [tilespmem:v1+s16+$0x20 ss:$0x1], $0xffff  }
0x3b: {  	_ =	sdelay $0x3  }
0x3c: {  	[tilespmem:v0+s16+$0xFFFFFFA0 ss:$0x1] =	vst.idx.msk $0xffff, v6  }
0x3d: {  	v56 =	vld.idx.msk [tilespmem:v1+s17+$0x30 ss:$0x1], $0xffff;
	[tilespmem:v0+s16+$0xFFFFFFB0 ss:$0x1] =	vst.idx.msk $0xffff, v4  }
0x3e: {  	v57 =	vld.idx.msk [tilespmem:v1+s17+$0xFFFFFFC0 ss:$0x1], $0xffff;
	[tilespmem:v0+s16+$0xFFFFFFC0 ss:$0x1] =	vst.idx.msk $0xffff, v2  }
0x3f: {  	v58 =	vld.idx.msk [tilespmem:v1+s17+$0xFFFFFFD0 ss:$0x1], $0xffff;
	[tilespmem:v0+s16+$0xFFFFFFD0 ss:$0x1] =	vst.idx.msk $0xffff, v3  }
0x40: {  	v59 =	vld.idx.msk [tilespmem:v1+s17+$0xFFFFFFE0 ss:$0x1], $0xffff;
	[tilespmem:v0+s16+$0xFFFFFFE0 ss:$0x1] =	vst.idx.msk $0xffff, v5  }
0x41: {  	v60 =	vld.idx.msk [tilespmem:v1+s17+$0xFFFFFFF0 ss:$0x1], $0xffff;
	[tilespmem:v0+s16+$0xFFFFFFF0 ss:$0x1] =	vst.idx.msk $0xffff, v7  }
0x42: {  	v61 =	vld.idx.msk [tilespmem:v1+s17+$0x0 ss:$0x1], $0xffff;
	[tilespmem:v0+s17+$0x0 ss:$0x1] =	vst.idx.msk $0xffff, v56  }
0x43: {  	v62 =	vld.idx.msk [tilespmem:v1+s17+$0x10 ss:$0x1], $0xffff;
	[tilespmem:v0+s17+$0xFFFFFF90 ss:$0x1] =	vst.idx.msk $0xffff, v57  }
0x44: {  	v63 =	vld.idx.msk [tilespmem:v1+s17+$0x20 ss:$0x1], $0xffff;
	[tilespmem:v0+s17+$0xFFFFFFA0 ss:$0x1] =	vst.idx.msk $0xffff, v58  }
0x45: {  	[tilespmem:v0+s17+$0xFFFFFFB0 ss:$0x1] =	vst.idx.msk $0xffff, v59  }
.Ltmp4:
0x46: {  	s14 =	sshll.u32 s14, $0xF;
	[tilespmem:v0+s17+$0xFFFFFFC0 ss:$0x1] =	vst.idx.msk $0xffff, v60;
	(pc) =	sbr.rel .LBB1_5-.Ltmp4, $4  }
0x47: {  	s12 =	sshll.u32 s12, $0x7;
	s13 =	sshll.u32 s13, $0x4;
	s14 =	sadd.s32 s4, s14;
	[tilespmem:v0+s17+$0xFFFFFFD0 ss:$0x1] =	vst.idx.msk $0xffff, v61  }
0x48: {  	s13 =	sand.u32 $0x70, s13;
	s12 =	sadd.s32 s12, s14;
	[tilespmem:v0+s17+$0xFFFFFFE0 ss:$0x1] =	vst.idx.msk $0xffff, v62  }
0x49: {  	s12 =	sadd.s32 s13, s12;
	[tilespmem:v0+s17+$0xFFFFFFF0 ss:$0x1] =	vst.idx.msk $0xffff, v63  }
0x4a: {  	[hbm4b:s12+s6] =	stream.strided.scatter [tilespmem:s15], [sflag:$0x2], $0x4000, s7, s6, $0x38;
	[tilespmem:$0x10000] =	vst v63  }
.LBB1_6:
0x4b: {  	_ =	sfence.sel $0x180000  }
0x4c: {  	s2 =	simm.s32 $0x1;
	[bflag:$0x0] =	sbarrier.arrive $0xFFFF  }
0x4d: {  	s31 =	simm.s32 $0x2;
	[sflag:s2] =	ssyncpa.u1 $0x1  }
0x4e: {  	[sflag:s31] =	ssyncpa.u1 $0x1  }
0x4f: {  	p0 =	sne.s32 s1, $0x0;
	_ =	strace $0x90000047  }
0x50: {  	s0 =	sadd.s32 @!p0 $0x100000, s0;
	[bflag:$0x2] =	sbarrier.arrive $0xFFFF  }
0x51: {  	[sflag:s0] =	ssyncadd.tile.s32 @!p0 $0x1;
	_ =	shalt  }
.Lfunc_end1:
_tile_overlayer_lowered:
.L_overlay_start_2:
0x52: {  	(tag) =	ssettag $0x2  }
0x53: {  	s0 =	rddreg [dreg:$0x0];
	s2 =	stileid.u32  }
0x54: {  	s1 =	rddreg [dreg:$0x1];
	p0 =	sne.s32 s2, $0x0  }
0x55: {  	s3 =	rddreg [dreg:$0x2];
	[bflag:$0x3] =	sbarrier.arrive $0xFFFF;
	s2 =	simm.s32 @!p0 $0x1C01  }
0x56: {  	[timem:s3], [sflag:s2] =	dma.local @!p0 [hbm:s0], s1  }
0x57: {  	s0 =	simm.s32 @!p0 $0x1  }
0x58: {  	_ =	swait.ge @!p0 [sflag:s0], s1  }
0x59: {  	s1 =	ssub.s32 @!p0 $0x0, s1;
	[sflag:s0] =	ssyncset.done @!p0 $0x0  }
0x5a: {  	[sflag:s0] =	ssyncadd.s32 @!p0 s1  }
0x5b: {  	[bflag:$0x3] =	sbarrier.arrive $0xFFFF  }
0x5c: {  	_ =	shalt  }

</sc_bundles>
